<compile_context>
chip_gen: v7x
topology: tpu7x:2x2x1
jax: 0.10.2.dev20260603
libtpu: 0.0.44.dev20260713+nightly
codegen_flags: <defaults>
</compile_context>

<pallas_src>
import dataclasses
import functools

import jax
import jax.numpy as jnp
from jax import lax
from jax.experimental import pallas as pl
from jax.experimental.pallas import tpu as pltpu
from jax.experimental.pallas import tpu_sc as plsc

N = 10000
E = 320000
D = 128
G = 64
NC = 2
NS = 16
NW = NC * NS
CH = 128
NCHUNK = 80
EPW = NCHUNK * CH
NBUF = 2
PAD_N = 10112
RPS = PAD_N // NS
NBLK = 16
BLK = PAD_N // NBLK

_mesh = plsc.VectorSubcoreMesh(core_axis_name="c", subcore_axis_name="s")
_P = jax.lax.Precision.HIGHEST



def _sc_propagate(hs, src3, dst3, zeros_big):

    @functools.partial(
        pl.kernel,
        out_type=jax.ShapeDtypeStruct((NC, PAD_N, D), jnp.float32),
        mesh=_mesh,
        scratch_types=[
            pltpu.VMEM_SHARED((PAD_N, D), jnp.float32),
            pltpu.VMEM((NCHUNK, CH), jnp.int32),
            pltpu.VMEM((NCHUNK, CH), jnp.int32),
            pltpu.VMEM((CH, D), jnp.float32),
        ],
    )
    def k(hs_hbm, src_hbm, dst_hbm, z_hbm, out_hbm, acc, src_v, dst_v, rows_v):
        c = lax.axis_index("c")
        s = lax.axis_index("s")
        base = s * RPS

        @pl.when(c == 0)
        def _():
            pltpu.sync_copy(hs_hbm.at[pl.ds(base, RPS)], acc.at[pl.ds(base, RPS)])

        @pl.when(c != 0)
        def _():
            pltpu.sync_copy(z_hbm.at[pl.ds(base, RPS)], acc.at[pl.ds(base, RPS)])

        pltpu.sync_copy(src_hbm.at[c].at[s], src_v)
        pltpu.sync_copy(dst_hbm.at[c].at[s], dst_v)
        plsc.subcore_barrier()

        @pl.loop(0, NCHUNK)
        def _(j):
            pltpu.sync_copy(hs_hbm.at[src_v.at[j]], rows_v)
            pltpu.sync_copy(rows_v, acc.at[dst_v.at[j]], add=True)

        plsc.subcore_barrier()
        pltpu.sync_copy(acc.at[pl.ds(base, RPS)],
                        out_hbm.at[c].at[pl.ds(base, RPS)])

    return k(hs, src3, dst3, zeros_big)


def _sc_degree(dst3):

    @functools.partial(
        pl.kernel,
        out_type=jax.ShapeDtypeStruct((NC, NS, NBLK, BLK), jnp.float32),
        mesh=_mesh,
        scratch_types=[
            pltpu.VMEM((NCHUNK, CH), jnp.int32),
            pltpu.VMEM((NBLK, BLK), jnp.float32),
        ],
        compiler_params=dataclasses.replace(pltpu.CompilerParams(),
                                            needs_layout_passes=False),
    )
    def k(dst_hbm, out_hbm, dst_v, deg_v):
        c = lax.axis_index("c")
        s = lax.axis_index("s")
        pltpu.sync_copy(dst_hbm.at[c].at[s], dst_v)

        zeros16 = jnp.zeros((16,), jnp.float32)

        @pl.loop(0, NBLK)
        def _(r):
            @pl.loop(0, BLK // 16)
            def _(t):
                deg_v[r, pl.ds(t * 16, 16)] = zeros16

        ones16 = jnp.ones((16,), jnp.float32)

        @pl.loop(0, NCHUNK)
        def _(j):
            @pl.loop(0, CH // 16)
            def _(g):
                iv = dst_v[j, pl.ds(g * 16, 16)]
                i0 = iv // BLK
                i1 = iv - i0 * BLK
                plsc.addupdate_scatter(deg_v, [i0, i1], ones16)

        pltpu.sync_copy(deg_v, out_hbm.at[c].at[s])

    return k(dst3)



def _tc_dinv_body(degp_ref, dinv_ref):
    deg = jnp.sum(degp_ref[...], axis=(0, 1)) + 1.0
    dinv_ref[...] = lax.transpose(lax.rsqrt(deg[None, :]), (1, 0))


def _tc_dinv(degp_t):
    return pl.pallas_call(
        _tc_dinv_body,
        grid=(NBLK,),
        in_specs=[pl.BlockSpec((1, NW, BLK), lambda i: (i, 0, 0))],
        out_specs=pl.BlockSpec((BLK, 1), lambda i: (i, 0)),
        out_shape=jax.ShapeDtypeStruct((PAD_N, 1), jnp.float32),
    )(degp_t)


def _tc_prescale1_body(x_ref, w1_ref, dinv_ref, hs_ref):
    h = lax.dot_general(x_ref[...], w1_ref[...], (((1,), (1,)), ((), ())),
                        preferred_element_type=jnp.float32, precision=_P)
    hs_ref[...] = h * dinv_ref[...]


def _tc_prescale1(x_pad, W1, dinv):
    return pl.pallas_call(
        _tc_prescale1_body,
        grid=(NBLK,),
        in_specs=[
            pl.BlockSpec((BLK, D), lambda i: (i, 0)),
            pl.BlockSpec((D, D), lambda i: (0, 0)),
            pl.BlockSpec((BLK, 1), lambda i: (i, 0)),
        ],
        out_specs=pl.BlockSpec((BLK, D), lambda i: (i, 0)),
        out_shape=jax.ShapeDtypeStruct((PAD_N, D), jnp.float32),
    )(x_pad, W1, dinv)


def _tc_mid_body(acc_ref, dinv_ref, b1_ref, w2_ref, hs2_ref):
    dinv = dinv_ref[...]
    ssum = acc_ref[0] + acc_ref[1]
    out1 = jnp.maximum(ssum * dinv + b1_ref[...], 0.0)
    h2 = lax.dot_general(out1, w2_ref[...], (((1,), (1,)), ((), ())),
                         preferred_element_type=jnp.float32, precision=_P)
    hs2_ref[...] = h2 * dinv


def _tc_mid(acc1, dinv, b1, W2):
    return pl.pallas_call(
        _tc_mid_body,
        grid=(NBLK,),
        in_specs=[
            pl.BlockSpec((NC, BLK, D), lambda i: (0, i, 0)),
            pl.BlockSpec((BLK, 1), lambda i: (i, 0)),
            pl.BlockSpec((1, D), lambda i: (0, 0)),
            pl.BlockSpec((D, D), lambda i: (0, 0)),
        ],
        out_specs=pl.BlockSpec((BLK, D), lambda i: (i, 0)),
        out_shape=jax.ShapeDtypeStruct((PAD_N, D), jnp.float32),
    )(acc1, dinv, b1, W2)


def _tc_final_body(acc_ref, dinv_ref, b2_ref, batch_ref, wout_ref, bout_ref,
                   out_ref, sums_ref, cnts_ref):
    i = pl.program_id(0)

    @pl.when(i == 0)
    def _():
        sums_ref[...] = jnp.zeros_like(sums_ref)
        cnts_ref[...] = jnp.zeros_like(cnts_ref)

    dinv = dinv_ref[...]
    ssum = acc_ref[0] + acc_ref[1]
    out2 = jnp.maximum(ssum * dinv + b2_ref[...], 0.0)
    rid = i * BLK + lax.broadcasted_iota(jnp.int32, (BLK, 1), 0)
    out2 = jnp.where(rid < N, out2, 0.0)

    seg = batch_ref[0]
    gi = lax.broadcasted_iota(jnp.int32, (G, BLK), 0)
    mask = (gi == seg).astype(jnp.float32)
    sums_ref[...] += lax.dot_general(mask, out2, (((1,), (0,)), ((), ())),
                                     preferred_element_type=jnp.float32,
                                     precision=_P)
    cnts_ref[...] += jnp.broadcast_to(jnp.sum(mask, axis=1, keepdims=True),
                                      cnts_ref.shape)

    @pl.when(i == NBLK - 1)
    def _():
        g = sums_ref[...] / jnp.maximum(cnts_ref[...], 1.0)
        out_ref[...] = (jnp.sum(g * wout_ref[...], axis=1, keepdims=True)
                        + bout_ref[0, 0])


def _tc_final(acc2, dinv, b2, batch3, Wout, bout):
    return pl.pallas_call(
        _tc_final_body,
        grid=(NBLK,),
        in_specs=[
            pl.BlockSpec((NC, BLK, D), lambda i: (0, i, 0)),
            pl.BlockSpec((BLK, 1), lambda i: (i, 0)),
            pl.BlockSpec((1, D), lambda i: (0, 0)),
            pl.BlockSpec((1, 1, BLK), lambda i: (i, 0, 0)),
            pl.BlockSpec((1, D), lambda i: (0, 0)),
            pl.BlockSpec((1, 1), lambda i: (0, 0)),
        ],
        out_specs=pl.BlockSpec((G, 1), lambda i: (0, 0)),
        out_shape=jax.ShapeDtypeStruct((G, 1), jnp.float32),
        scratch_shapes=[
            pltpu.VMEM((G, D), jnp.float32),
            pltpu.VMEM((G, D), jnp.float32),
        ],
    )(acc2, dinv, b2, batch3, Wout, bout)



def kernel(x, edge_index, batch, W1, b1, W2, b2, Wout, bout):
    src = edge_index[0].astype(jnp.int32)
    dst = edge_index[1].astype(jnp.int32)
    pad_e = NW * EPW - E
    src3 = jnp.concatenate([src, jnp.zeros((pad_e,), jnp.int32)]
                           ).reshape(NC, NS, NCHUNK, CH)
    pad_dst = N + jnp.arange(pad_e, dtype=jnp.int32) % (PAD_N - N)
    dst3 = jnp.concatenate([dst, pad_dst]).reshape(NC, NS, NCHUNK, CH)
    batch3 = jnp.concatenate([batch.astype(jnp.int32),
                              jnp.full((PAD_N - N,), G, jnp.int32)]
                             ).reshape(NBLK, 1, BLK)
    x_pad = jnp.zeros((PAD_N, D), jnp.float32).at[:N].set(x)
    zeros_big = jnp.zeros((PAD_N, D), jnp.float32)

    degp = _sc_degree(dst3)
    dinv = _tc_dinv(degp.reshape(NW, NBLK, BLK).transpose(1, 0, 2))
    hs1 = _tc_prescale1(x_pad, W1, dinv)
    acc1 = _sc_propagate(hs1, src3, dst3, zeros_big)
    hs2 = _tc_mid(acc1, dinv, b1.reshape(1, D), W2)
    acc2 = _sc_propagate(hs2, src3, dst3, zeros_big)
    return _tc_final(acc2, dinv, b2.reshape(1, D), batch3,
                     Wout.reshape(1, D), bout.reshape(1, 1))

# --- scband reference (transcript-rebuilt; emitter-appended) ---
"""Pipeline reference for scband-simple-gcn-29557964931482 (READ-ONLY COPY).

The authoritative reference and input builder live on the scoring server;
editing this copy changes nothing except your own understanding.
"""

import jax, jax.numpy as jnp
import numpy as np

NUM_NODES = 10000
NUM_EDGES = 320000
D_IN = 128
D_HID = 128
NUM_GRAPHS = 64


def setup_inputs(seed: int = 0) -> dict:
    key = jax.random.key(seed)
    ks = jax.random.split(key, 10)
    x = jax.random.normal(ks[0], (NUM_NODES, D_IN), dtype=jnp.float32)
    edge_index = jax.random.randint(ks[1], (2, NUM_EDGES), 0, NUM_NODES, dtype=jnp.int64)
    batch = jnp.sort(jax.random.randint(ks[2], (NUM_NODES,), 0, NUM_GRAPHS, dtype=jnp.int64))
    # GCNConv1 params (Glorot-ish init)
    W1 = jax.random.normal(ks[3], (D_HID, D_IN), dtype=jnp.float32) * (1.0 / np.sqrt(D_IN))
    b1 = jnp.zeros((D_HID,), dtype=jnp.float32)
    # GCNConv2 params
    W2 = jax.random.normal(ks[4], (D_HID, D_HID), dtype=jnp.float32) * (1.0 / np.sqrt(D_HID))
    b2 = jnp.zeros((D_HID,), dtype=jnp.float32)
    # Output linear params
    Wout = jax.random.normal(ks[5], (1, D_HID), dtype=jnp.float32) * (1.0 / np.sqrt(D_HID))
    bout = jnp.zeros((1,), dtype=jnp.float32)
    return {"x": x, "edge_index": edge_index, "batch": batch,
            "W1": W1, "b1": b1, "W2": W2, "b2": b2, "Wout": Wout, "bout": bout}


def _gcn_conv(x, edge_index, W, b):
    # x: [N, d_in], W: [d_out, d_in], b: [d_out]
    n = x.shape[0]
    h = x @ W.T
    src = edge_index[0]
    dst = edge_index[1]
    # add self loops (PyG GCNConv default add_self_loops=True)
    loop = jnp.arange(n, dtype=src.dtype)
    src = jnp.concatenate([src, loop])
    dst = jnp.concatenate([dst, loop])
    # symmetric normalization deg^{-1/2} A_hat deg^{-1/2}
    deg = jnp.zeros((n,), dtype=h.dtype).at[dst].add(1.0)
    dinv = jnp.where(deg > 0, jax.lax.rsqrt(deg), 0.0)
    norm = dinv[src] * dinv[dst]
    msg = h[src] * norm[:, None]
    out = jnp.zeros_like(h).at[dst].add(msg)
    return out + b


def _global_mean_pool(x, batch, num_graphs):
    sums = jax.ops.segment_sum(x, batch, num_segments=num_graphs)
    cnts = jax.ops.segment_sum(jnp.ones((x.shape[0],), dtype=x.dtype), batch, num_segments=num_graphs)
    return sums / jnp.clip(cnts, 1.0)[:, None]


def reference(x, edge_index, batch, W1, b1, W2, b2, Wout, bout):
    h = jax.nn.relu(_gcn_conv(x, edge_index, W1, b1))
    h = jax.nn.relu(_gcn_conv(h, edge_index, W2, b2))
    g = _global_mean_pool(h, batch, NUM_GRAPHS)
    out = g @ Wout.T + bout
    return out

if __name__ == "__main__":
    import jax
    _d = setup_inputs()
    print(jax.jit(kernel)(*tuple(_d.values())))

</pallas_src>

<mosaic_0001>
#map = affine_map<(d0, d1) -> (0, 0)>
#map1 = affine_map<(d0, d1) -> (0, 0, 0, 0)>
#map2 = affine_map<(d0, d1) -> (0, 0, 0)>
module attributes {stable_mosaic.version = 14 : i64} {
  func.func @k(%arg0: i32, %arg1: i32, %arg2: memref<10112x128xf32, #tpu.memory_space<hbm>>, %arg3: memref<2x16x80x128xi32, #tpu.memory_space<hbm>>, %arg4: memref<2x16x80x128xi32, #tpu.memory_space<hbm>>, %arg5: memref<10112x128xf32, #tpu.memory_space<hbm>>, %arg6: memref<2x10112x128xf32, #tpu.memory_space<hbm>>, %arg7: memref<10112x128xf32, #tpu.memory_space<vmem_shared>>, %arg8: memref<80x128xi32, #tpu.memory_space<vmem>>, %arg9: memref<80x128xi32, #tpu.memory_space<vmem>>, %arg10: memref<128x128xf32, #tpu.memory_space<vmem>>) attributes {dimension_semantics = [#tpu.dimension_semantics<core_parallel>, #tpu.dimension_semantics<subcore_parallel>], iteration_bounds = array<i64: 2, 16>, scalar_prefetch = 0 : i64, scratch_operands = 4 : i64, tpu.core_type = #tpu.core_type<sc_vector_subcore>, window_params = [{transform_indices = #map}, {transform_indices = #map1}, {transform_indices = #map1}, {transform_indices = #map}, {transform_indices = #map2}]} {
    %mul3A = arith.constant 632 : i32
    %mul3A_0 = arith.muli %arg1, %mul3A : i32
    %eq3A = arith.constant 0 : i32
    %eq3A_1 = arith.cmpi eq, %arg0, %eq3A : i32
    %convert_element_type3A = arith.extui %eq3A_1 : i1 to i32
    %cond3A = arith.constant 0 : i32
    %cond3A_2 = arith.cmpi ne, %convert_element_type3A, %cond3A : i32
    scf.if %cond3A_2 {
      "tpu.region"() ({
        %run_scoped3A = tpu.sem_alloc : memref<!tpu.dma_semaphore, #tpu.memory_space<semaphore_mem>>
        %dma_start3A = arith.constant 0 : i32
        %dma_start3A_12 = tpu.memref_slice %arg7[%mul3A_0, %dma_start3A] : memref<10112x128xf32, #tpu.memory_space<vmem_shared>> -> memref<632x128xf32, #tpu.memory_space<vmem_shared>>
        %dma_start3A_13 = arith.constant 0 : i32
        %dma_start3A_14 = tpu.memref_slice %arg2[%mul3A_0, %dma_start3A_13] : memref<10112x128xf32, #tpu.memory_space<hbm>> -> memref<632x128xf32, #tpu.memory_space<hbm>>
        tpu.enqueue_dma source(%dma_start3A_14 : memref<632x128xf32, #tpu.memory_space<hbm>>) target(%dma_start3A_12 : memref<632x128xf32, #tpu.memory_space<vmem_shared>>) target_semaphore(%run_scoped3A : memref<!tpu.dma_semaphore, #tpu.memory_space<semaphore_mem>>)
        %dma_wait3A = arith.constant 0 : i32
        %dma_wait3A_15 = tpu.memref_slice %arg7[%mul3A_0, %dma_wait3A] : memref<10112x128xf32, #tpu.memory_space<vmem_shared>> -> memref<632x128xf32, #tpu.memory_space<vmem_shared>>
        %dma_wait3A_16 = arith.constant 0 : i32
        %dma_wait3A_17 = tpu.memref_slice %arg2[%mul3A_0, %dma_wait3A_16] : memref<10112x128xf32, #tpu.memory_space<hbm>> -> memref<632x128xf32, #tpu.memory_space<hbm>>
        tpu.wait_dma2 semaphore(%run_scoped3A : memref<!tpu.dma_semaphore, #tpu.memory_space<semaphore_mem>>) src(%dma_wait3A_17 : memref<632x128xf32, #tpu.memory_space<hbm>>) dst(%dma_wait3A_15 : memref<632x128xf32, #tpu.memory_space<vmem_shared>>)
        tpu.yield
      }) : () -> ()
    } else {
    }
    %ne3A = arith.constant 0 : i32
    %ne3A_3 = arith.cmpi ne, %arg0, %ne3A : i32
    %convert_element_type3A_4 = arith.extui %ne3A_3 : i1 to i32
    %cond3A_5 = arith.constant 0 : i32
    %cond3A_6 = arith.cmpi ne, %convert_element_type3A_4, %cond3A_5 : i32
    scf.if %cond3A_6 {
      "tpu.region"() ({
        %run_scoped3A = tpu.sem_alloc : memref<!tpu.dma_semaphore, #tpu.memory_space<semaphore_mem>>
        %dma_start3A = arith.constant 0 : i32
        %dma_start3A_12 = tpu.memref_slice %arg7[%mul3A_0, %dma_start3A] : memref<10112x128xf32, #tpu.memory_space<vmem_shared>> -> memref<632x128xf32, #tpu.memory_space<vmem_shared>>
        %dma_start3A_13 = arith.constant 0 : i32
        %dma_start3A_14 = tpu.memref_slice %arg5[%mul3A_0, %dma_start3A_13] : memref<10112x128xf32, #tpu.memory_space<hbm>> -> memref<632x128xf32, #tpu.memory_space<hbm>>
        tpu.enqueue_dma source(%dma_start3A_14 : memref<632x128xf32, #tpu.memory_space<hbm>>) target(%dma_start3A_12 : memref<632x128xf32, #tpu.memory_space<vmem_shared>>) target_semaphore(%run_scoped3A : memref<!tpu.dma_semaphore, #tpu.memory_space<semaphore_mem>>)
        %dma_wait3A = arith.constant 0 : i32
        %dma_wait3A_15 = tpu.memref_slice %arg7[%mul3A_0, %dma_wait3A] : memref<10112x128xf32, #tpu.memory_space<vmem_shared>> -> memref<632x128xf32, #tpu.memory_space<vmem_shared>>
        %dma_wait3A_16 = arith.constant 0 : i32
        %dma_wait3A_17 = tpu.memref_slice %arg5[%mul3A_0, %dma_wait3A_16] : memref<10112x128xf32, #tpu.memory_space<hbm>> -> memref<632x128xf32, #tpu.memory_space<hbm>>
        tpu.wait_dma2 semaphore(%run_scoped3A : memref<!tpu.dma_semaphore, #tpu.memory_space<semaphore_mem>>) src(%dma_wait3A_17 : memref<632x128xf32, #tpu.memory_space<hbm>>) dst(%dma_wait3A_15 : memref<632x128xf32, #tpu.memory_space<vmem_shared>>)
        tpu.yield
      }) : () -> ()
    } else {
    }
    "tpu.region"() ({
      %run_scoped3A = tpu.sem_alloc : memref<!tpu.dma_semaphore, #tpu.memory_space<semaphore_mem>>
      %dma_start3A = arith.constant 0 : i32
      %dma_start3A_12 = arith.constant 0 : i32
      %dma_start3A_13 = arith.constant 0 : i32
      %dma_start3A_14 = tpu.memref_slice %arg3[%arg0, %dma_start3A, %dma_start3A_12, %dma_start3A_13] : memref<2x16x80x128xi32, #tpu.memory_space<hbm>> -> memref<1x16x80x128xi32, #tpu.memory_space<hbm>>
      %dma_start3A_15 = tpu.memref_squeeze %dma_start3A_14 : memref<1x16x80x128xi32, #tpu.memory_space<hbm>> -> memref<16x80x128xi32, #tpu.memory_space<hbm>>
      %dma_start3A_16 = arith.constant 0 : i32
      %dma_start3A_17 = arith.constant 0 : i32
      %dma_start3A_18 = tpu.memref_slice %dma_start3A_15[%arg1, %dma_start3A_16, %dma_start3A_17] : memref<16x80x128xi32, #tpu.memory_space<hbm>> -> memref<1x80x128xi32, #tpu.memory_space<hbm>>
      %dma_start3A_19 = tpu.memref_squeeze %dma_start3A_18 : memref<1x80x128xi32, #tpu.memory_space<hbm>> -> memref<80x128xi32, #tpu.memory_space<hbm>>
      %dma_start3A_20 = arith.constant 0 : i32
      %dma_start3A_21 = arith.constant 0 : i32
      %dma_start3A_22 = arith.constant 0 : i32
      %dma_start3A_23 = tpu.memref_slice %arg3[%arg0, %dma_start3A_20, %dma_start3A_21, %dma_start3A_22] : memref<2x16x80x128xi32, #tpu.memory_space<hbm>> -> memref<1x16x80x128xi32, #tpu.memory_space<hbm>>
      %dma_start3A_24 = tpu.memref_squeeze %dma_start3A_23 : memref<1x16x80x128xi32, #tpu.memory_space<hbm>> -> memref<16x80x128xi32, #tpu.memory_space<hbm>>
      %dma_start3A_25 = arith.constant 0 : i32
      %dma_start3A_26 = arith.constant 0 : i32
      %dma_start3A_27 = tpu.memref_slice %dma_start3A_24[%arg1, %dma_start3A_25, %dma_start3A_26] : memref<16x80x128xi32, #tpu.memory_space<hbm>> -> memref<1x80x128xi32, #tpu.memory_space<hbm>>
      %dma_start3A_28 = tpu.memref_squeeze %dma_start3A_27 : memref<1x80x128xi32, #tpu.memory_space<hbm>> -> memref<80x128xi32, #tpu.memory_space<hbm>>
      tpu.enqueue_dma source(%dma_start3A_28 : memref<80x128xi32, #tpu.memory_space<hbm>>) target(%arg8 : memref<80x128xi32, #tpu.memory_space<vmem>>) target_semaphore(%run_scoped3A : memref<!tpu.dma_semaphore, #tpu.memory_space<semaphore_mem>>)
      %dma_wait3A = arith.constant 0 : i32
      %dma_wait3A_29 = arith.constant 0 : i32
      %dma_wait3A_30 = arith.constant 0 : i32
      %dma_wait3A_31 = tpu.memref_slice %arg3[%arg0, %dma_wait3A, %dma_wait3A_29, %dma_wait3A_30] : memref<2x16x80x128xi32, #tpu.memory_space<hbm>> -> memref<1x16x80x128xi32, #tpu.memory_space<hbm>>
      %dma_wait3A_32 = tpu.memref_squeeze %dma_wait3A_31 : memref<1x16x80x128xi32, #tpu.memory_space<hbm>> -> memref<16x80x128xi32, #tpu.memory_space<hbm>>
      %dma_wait3A_33 = arith.constant 0 : i32
      %dma_wait3A_34 = arith.constant 0 : i32
      %dma_wait3A_35 = tpu.memref_slice %dma_wait3A_32[%arg1, %dma_wait3A_33, %dma_wait3A_34] : memref<16x80x128xi32, #tpu.memory_space<hbm>> -> memref<1x80x128xi32, #tpu.memory_space<hbm>>
      %dma_wait3A_36 = tpu.memref_squeeze %dma_wait3A_35 : memref<1x80x128xi32, #tpu.memory_space<hbm>> -> memref<80x128xi32, #tpu.memory_space<hbm>>
      %dma_wait3A_37 = arith.constant 0 : i32
      %dma_wait3A_38 = arith.constant 0 : i32
      %dma_wait3A_39 = arith.constant 0 : i32
      %dma_wait3A_40 = tpu.memref_slice %arg3[%arg0, %dma_wait3A_37, %dma_wait3A_38, %dma_wait3A_39] : memref<2x16x80x128xi32, #tpu.memory_space<hbm>> -> memref<1x16x80x128xi32, #tpu.memory_space<hbm>>
      %dma_wait3A_41 = tpu.memref_squeeze %dma_wait3A_40 : memref<1x16x80x128xi32, #tpu.memory_space<hbm>> -> memref<16x80x128xi32, #tpu.memory_space<hbm>>
      %dma_wait3A_42 = arith.constant 0 : i32
      %dma_wait3A_43 = arith.constant 0 : i32
      %dma_wait3A_44 = tpu.memref_slice %dma_wait3A_41[%arg1, %dma_wait3A_42, %dma_wait3A_43] : memref<16x80x128xi32, #tpu.memory_space<hbm>> -> memref<1x80x128xi32, #tpu.memory_space<hbm>>
      %dma_wait3A_45 = tpu.memref_squeeze %dma_wait3A_44 : memref<1x80x128xi32, #tpu.memory_space<hbm>> -> memref<80x128xi32, #tpu.memory_space<hbm>>
      tpu.wait_dma2 semaphore(%run_scoped3A : memref<!tpu.dma_semaphore, #tpu.memory_space<semaphore_mem>>) src(%dma_wait3A_45 : memref<80x128xi32, #tpu.memory_space<hbm>>) dst(%arg8 : memref<80x128xi32, #tpu.memory_space<vmem>>)
      tpu.yield
    }) : () -> ()
    "tpu.region"() ({
      %run_scoped3A = tpu.sem_alloc : memref<!tpu.dma_semaphore, #tpu.memory_space<semaphore_mem>>
      %dma_start3A = arith.constant 0 : i32
      %dma_start3A_12 = arith.constant 0 : i32
      %dma_start3A_13 = arith.constant 0 : i32
      %dma_start3A_14 = tpu.memref_slice %arg4[%arg0, %dma_start3A, %dma_start3A_12, %dma_start3A_13] : memref<2x16x80x128xi32, #tpu.memory_space<hbm>> -> memref<1x16x80x128xi32, #tpu.memory_space<hbm>>
      %dma_start3A_15 = tpu.memref_squeeze %dma_start3A_14 : memref<1x16x80x128xi32, #tpu.memory_space<hbm>> -> memref<16x80x128xi32, #tpu.memory_space<hbm>>
      %dma_start3A_16 = arith.constant 0 : i32
      %dma_start3A_17 = arith.constant 0 : i32
      %dma_start3A_18 = tpu.memref_slice %dma_start3A_15[%arg1, %dma_start3A_16, %dma_start3A_17] : memref<16x80x128xi32, #tpu.memory_space<hbm>> -> memref<1x80x128xi32, #tpu.memory_space<hbm>>
      %dma_start3A_19 = tpu.memref_squeeze %dma_start3A_18 : memref<1x80x128xi32, #tpu.memory_space<hbm>> -> memref<80x128xi32, #tpu.memory_space<hbm>>
      %dma_start3A_20 = arith.constant 0 : i32
      %dma_start3A_21 = arith.constant 0 : i32
      %dma_start3A_22 = arith.constant 0 : i32
      %dma_start3A_23 = tpu.memref_slice %arg4[%arg0, %dma_start3A_20, %dma_start3A_21, %dma_start3A_22] : memref<2x16x80x128xi32, #tpu.memory_space<hbm>> -> memref<1x16x80x128xi32, #tpu.memory_space<hbm>>
      %dma_start3A_24 = tpu.memref_squeeze %dma_start3A_23 : memref<1x16x80x128xi32, #tpu.memory_space<hbm>> -> memref<16x80x128xi32, #tpu.memory_space<hbm>>
      %dma_start3A_25 = arith.constant 0 : i32
      %dma_start3A_26 = arith.constant 0 : i32
      %dma_start3A_27 = tpu.memref_slice %dma_start3A_24[%arg1, %dma_start3A_25, %dma_start3A_26] : memref<16x80x128xi32, #tpu.memory_space<hbm>> -> memref<1x80x128xi32, #tpu.memory_space<hbm>>
      %dma_start3A_28 = tpu.memref_squeeze %dma_start3A_27 : memref<1x80x128xi32, #tpu.memory_space<hbm>> -> memref<80x128xi32, #tpu.memory_space<hbm>>
      tpu.enqueue_dma source(%dma_start3A_28 : memref<80x128xi32, #tpu.memory_space<hbm>>) target(%arg9 : memref<80x128xi32, #tpu.memory_space<vmem>>) target_semaphore(%run_scoped3A : memref<!tpu.dma_semaphore, #tpu.memory_space<semaphore_mem>>)
      %dma_wait3A = arith.constant 0 : i32
      %dma_wait3A_29 = arith.constant 0 : i32
      %dma_wait3A_30 = arith.constant 0 : i32
      %dma_wait3A_31 = tpu.memref_slice %arg4[%arg0, %dma_wait3A, %dma_wait3A_29, %dma_wait3A_30] : memref<2x16x80x128xi32, #tpu.memory_space<hbm>> -> memref<1x16x80x128xi32, #tpu.memory_space<hbm>>
      %dma_wait3A_32 = tpu.memref_squeeze %dma_wait3A_31 : memref<1x16x80x128xi32, #tpu.memory_space<hbm>> -> memref<16x80x128xi32, #tpu.memory_space<hbm>>
      %dma_wait3A_33 = arith.constant 0 : i32
      %dma_wait3A_34 = arith.constant 0 : i32
      %dma_wait3A_35 = tpu.memref_slice %dma_wait3A_32[%arg1, %dma_wait3A_33, %dma_wait3A_34] : memref<16x80x128xi32, #tpu.memory_space<hbm>> -> memref<1x80x128xi32, #tpu.memory_space<hbm>>
      %dma_wait3A_36 = tpu.memref_squeeze %dma_wait3A_35 : memref<1x80x128xi32, #tpu.memory_space<hbm>> -> memref<80x128xi32, #tpu.memory_space<hbm>>
      %dma_wait3A_37 = arith.constant 0 : i32
      %dma_wait3A_38 = arith.constant 0 : i32
      %dma_wait3A_39 = arith.constant 0 : i32
      %dma_wait3A_40 = tpu.memref_slice %arg4[%arg0, %dma_wait3A_37, %dma_wait3A_38, %dma_wait3A_39] : memref<2x16x80x128xi32, #tpu.memory_space<hbm>> -> memref<1x16x80x128xi32, #tpu.memory_space<hbm>>
      %dma_wait3A_41 = tpu.memref_squeeze %dma_wait3A_40 : memref<1x16x80x128xi32, #tpu.memory_space<hbm>> -> memref<16x80x128xi32, #tpu.memory_space<hbm>>
      %dma_wait3A_42 = arith.constant 0 : i32
      %dma_wait3A_43 = arith.constant 0 : i32
      %dma_wait3A_44 = tpu.memref_slice %dma_wait3A_41[%arg1, %dma_wait3A_42, %dma_wait3A_43] : memref<16x80x128xi32, #tpu.memory_space<hbm>> -> memref<1x80x128xi32, #tpu.memory_space<hbm>>
      %dma_wait3A_45 = tpu.memref_squeeze %dma_wait3A_44 : memref<1x80x128xi32, #tpu.memory_space<hbm>> -> memref<80x128xi32, #tpu.memory_space<hbm>>
      tpu.wait_dma2 semaphore(%run_scoped3A : memref<!tpu.dma_semaphore, #tpu.memory_space<semaphore_mem>>) src(%dma_wait3A_45 : memref<80x128xi32, #tpu.memory_space<hbm>>) dst(%arg9 : memref<80x128xi32, #tpu.memory_space<vmem>>)
      tpu.yield
    }) : () -> ()
    %barrier3A = arith.constant 0 : index
    tpu.barrier barrier_id(%barrier3A)
    %scan3A = arith.constant 0 : i32
    %scan3A_7 = arith.constant 80 : i32
    %scan3A_8 = arith.addi %scan3A, %scan3A_7 : i32
    %scan3A_9 = arith.constant 1 : i32
    scf.for %scan3A_12 = %scan3A to %scan3A_8 step %scan3A_9  : i32 {
      %mul3A_13 = arith.constant 1 : i32
      %mul3A_14 = arith.muli %scan3A_12, %mul3A_13 : i32
      %add3A = arith.constant 0 : i32
      %add3A_15 = arith.addi %add3A, %mul3A_14 : i32
      "tpu.region"() ({
        %run_scoped3A = tpu.sem_alloc : memref<!tpu.dma_semaphore, #tpu.memory_space<semaphore_mem>>
        %dma_start3A = arith.constant 0 : i32
        %dma_start3A_16 = tpu.memref_slice %arg8[%add3A_15, %dma_start3A] : memref<80x128xi32, #tpu.memory_space<vmem>> -> memref<1x128xi32, #tpu.memory_space<vmem>>
        %dma_start3A_17 = tpu.memref_squeeze %dma_start3A_16 : memref<1x128xi32, #tpu.memory_space<vmem>> -> memref<128xi32, #tpu.memory_space<vmem>>
        %dma_start3A_18 = arith.constant 0 : i32
        %dma_start3A_19 = arith.constant 0 : i32
        %dma_start3A_20 = tpu.memref_slice %arg2[%dma_start3A_18, %dma_start3A_19] : memref<10112x128xf32, #tpu.memory_space<hbm>> -> memref<10112x128xf32, #tpu.memory_space<hbm>>
        tpu.enqueue_indirect_dma source(%dma_start3A_20 : memref<10112x128xf32, #tpu.memory_space<hbm>>) target(%arg10 : memref<128x128xf32, #tpu.memory_space<vmem>>) offsets(%dma_start3A_17 : memref<128xi32, #tpu.memory_space<vmem>>) semaphore(%run_scoped3A : memref<!tpu.dma_semaphore, #tpu.memory_space<semaphore_mem>>)
        %dma_wait3A = arith.constant 0 : i32
        %dma_wait3A_21 = tpu.memref_slice %arg8[%add3A_15, %dma_wait3A] : memref<80x128xi32, #tpu.memory_space<vmem>> -> memref<1x128xi32, #tpu.memory_space<vmem>>
        %dma_wait3A_22 = tpu.memref_squeeze %dma_wait3A_21 : memref<1x128xi32, #tpu.memory_space<vmem>> -> memref<128xi32, #tpu.memory_space<vmem>>
        %dma_wait3A_23 = arith.constant 0 : i32
        %dma_wait3A_24 = arith.constant 0 : i32
        %dma_wait3A_25 = tpu.memref_slice %arg2[%dma_wait3A_23, %dma_wait3A_24] : memref<10112x128xf32, #tpu.memory_space<hbm>> -> memref<10112x128xf32, #tpu.memory_space<hbm>>
        tpu.wait_indirect_dma semaphore(%run_scoped3A : memref<!tpu.dma_semaphore, #tpu.memory_space<semaphore_mem>>) src(%dma_wait3A_25 : memref<10112x128xf32, #tpu.memory_space<hbm>>) dst(%arg10 : memref<128x128xf32, #tpu.memory_space<vmem>>)
        tpu.yield
      }) : () -> ()
      "tpu.region"() ({
        %run_scoped3A = tpu.sem_alloc : memref<!tpu.dma_semaphore, #tpu.memory_space<semaphore_mem>>
        %dma_start3A = arith.constant 0 : i32
        %dma_start3A_16 = tpu.memref_slice %arg9[%add3A_15, %dma_start3A] : memref<80x128xi32, #tpu.memory_space<vmem>> -> memref<1x128xi32, #tpu.memory_space<vmem>>
        %dma_start3A_17 = tpu.memref_squeeze %dma_start3A_16 : memref<1x128xi32, #tpu.memory_space<vmem>> -> memref<128xi32, #tpu.memory_space<vmem>>
        %dma_start3A_18 = arith.constant 0 : i32
        %dma_start3A_19 = arith.constant 0 : i32
        %dma_start3A_20 = tpu.memref_slice %arg7[%dma_start3A_18, %dma_start3A_19] : memref<10112x128xf32, #tpu.memory_space<vmem_shared>> -> memref<10112x128xf32, #tpu.memory_space<vmem_shared>>
        tpu.enqueue_indirect_dma source(%arg10 : memref<128x128xf32, #tpu.memory_space<vmem>>) target(%dma_start3A_20 : memref<10112x128xf32, #tpu.memory_space<vmem_shared>>) offsets(%dma_start3A_17 : memref<128xi32, #tpu.memory_space<vmem>>) semaphore(%run_scoped3A : memref<!tpu.dma_semaphore, #tpu.memory_space<semaphore_mem>>) {add = true}
        %dma_wait3A = arith.constant 0 : i32
        %dma_wait3A_21 = tpu.memref_slice %arg9[%add3A_15, %dma_wait3A] : memref<80x128xi32, #tpu.memory_space<vmem>> -> memref<1x128xi32, #tpu.memory_space<vmem>>
        %dma_wait3A_22 = tpu.memref_squeeze %dma_wait3A_21 : memref<1x128xi32, #tpu.memory_space<vmem>> -> memref<128xi32, #tpu.memory_space<vmem>>
        %dma_wait3A_23 = arith.constant 0 : i32
        %dma_wait3A_24 = arith.constant 0 : i32
        %dma_wait3A_25 = tpu.memref_slice %arg7[%dma_wait3A_23, %dma_wait3A_24] : memref<10112x128xf32, #tpu.memory_space<vmem_shared>> -> memref<10112x128xf32, #tpu.memory_space<vmem_shared>>
        tpu.wait_indirect_dma semaphore(%run_scoped3A : memref<!tpu.dma_semaphore, #tpu.memory_space<semaphore_mem>>) src(%arg10 : memref<128x128xf32, #tpu.memory_space<vmem>>) dst(%dma_wait3A_25 : memref<10112x128xf32, #tpu.memory_space<vmem_shared>>)
        tpu.yield
      }) : () -> ()
    }
    %scan3A_10 = arith.constant 80 : i32
    %barrier3A_11 = arith.constant 0 : index
    tpu.barrier barrier_id(%barrier3A_11)
    "tpu.region"() ({
      %run_scoped3A = tpu.sem_alloc : memref<!tpu.dma_semaphore, #tpu.memory_space<semaphore_mem>>
      %dma_start3A = arith.constant 0 : i32
      %dma_start3A_12 = arith.constant 0 : i32
      %dma_start3A_13 = tpu.memref_slice %arg6[%arg0, %dma_start3A, %dma_start3A_12] : memref<2x10112x128xf32, #tpu.memory_space<hbm>> -> memref<1x10112x128xf32, #tpu.memory_space<hbm>>
      %dma_start3A_14 = tpu.memref_squeeze %dma_start3A_13 : memref<1x10112x128xf32, #tpu.memory_space<hbm>> -> memref<10112x128xf32, #tpu.memory_space<hbm>>
      %dma_start3A_15 = arith.constant 0 : i32
      %dma_start3A_16 = tpu.memref_slice %dma_start3A_14[%mul3A_0, %dma_start3A_15] : memref<10112x128xf32, #tpu.memory_space<hbm>> -> memref<632x128xf32, #tpu.memory_space<hbm>>
      %dma_start3A_17 = arith.constant 0 : i32
      %dma_start3A_18 = tpu.memref_slice %arg7[%mul3A_0, %dma_start3A_17] : memref<10112x128xf32, #tpu.memory_space<vmem_shared>> -> memref<632x128xf32, #tpu.memory_space<vmem_shared>>
      tpu.enqueue_dma source(%dma_start3A_18 : memref<632x128xf32, #tpu.memory_space<vmem_shared>>) target(%dma_start3A_16 : memref<632x128xf32, #tpu.memory_space<hbm>>) target_semaphore(%run_scoped3A : memref<!tpu.dma_semaphore, #tpu.memory_space<semaphore_mem>>)
      %dma_wait3A = arith.constant 0 : i32
      %dma_wait3A_19 = arith.constant 0 : i32
      %dma_wait3A_20 = tpu.memref_slice %arg6[%arg0, %dma_wait3A, %dma_wait3A_19] : memref<2x10112x128xf32, #tpu.memory_space<hbm>> -> memref<1x10112x128xf32, #tpu.memory_space<hbm>>
      %dma_wait3A_21 = tpu.memref_squeeze %dma_wait3A_20 : memref<1x10112x128xf32, #tpu.memory_space<hbm>> -> memref<10112x128xf32, #tpu.memory_space<hbm>>
      %dma_wait3A_22 = arith.constant 0 : i32
      %dma_wait3A_23 = tpu.memref_slice %dma_wait3A_21[%mul3A_0, %dma_wait3A_22] : memref<10112x128xf32, #tpu.memory_space<hbm>> -> memref<632x128xf32, #tpu.memory_space<hbm>>
      %dma_wait3A_24 = arith.constant 0 : i32
      %dma_wait3A_25 = tpu.memref_slice %arg7[%mul3A_0, %dma_wait3A_24] : memref<10112x128xf32, #tpu.memory_space<vmem_shared>> -> memref<632x128xf32, #tpu.memory_space<vmem_shared>>
      tpu.wait_dma2 semaphore(%run_scoped3A : memref<!tpu.dma_semaphore, #tpu.memory_space<semaphore_mem>>) src(%dma_wait3A_25 : memref<632x128xf32, #tpu.memory_space<vmem_shared>>) dst(%dma_wait3A_23 : memref<632x128xf32, #tpu.memory_space<hbm>>)
      tpu.yield
    }) : () -> ()
    return
  }
}

#map = affine_map<(d0, d1) -> (0, 0, 0, 0)>
module attributes {stable_mosaic.version = 14 : i64} {
  func.func @k(%arg0: i32, %arg1: i32, %arg2: memref<2x16x80x128xi32, #tpu.memory_space<hbm>>, %arg3: memref<2x16x16x632xf32, #tpu.memory_space<hbm>>, %arg4: memref<80x128xi32, #tpu.memory_space<vmem>>, %arg5: memref<16x632xf32, #tpu.memory_space<vmem>>) attributes {dimension_semantics = [#tpu.dimension_semantics<core_parallel>, #tpu.dimension_semantics<subcore_parallel>], iteration_bounds = array<i64: 2, 16>, scalar_prefetch = 0 : i64, scratch_operands = 2 : i64, tpu.core_type = #tpu.core_type<sc_vector_subcore>, window_params = [{transform_indices = #map}, {transform_indices = #map}]} {
    "tpu.region"() ({
      %run_scoped3A = tpu.sem_alloc : memref<!tpu.dma_semaphore, #tpu.memory_space<semaphore_mem>>
      %dma_start3A = arith.constant 0 : i32
      %dma_start3A_12 = arith.constant 0 : i32
      %dma_start3A_13 = arith.constant 0 : i32
      %dma_start3A_14 = tpu.memref_slice %arg2[%arg0, %dma_start3A, %dma_start3A_12, %dma_start3A_13] : memref<2x16x80x128xi32, #tpu.memory_space<hbm>> -> memref<1x16x80x128xi32, #tpu.memory_space<hbm>>
      %dma_start3A_15 = tpu.memref_squeeze %dma_start3A_14 : memref<1x16x80x128xi32, #tpu.memory_space<hbm>> -> memref<16x80x128xi32, #tpu.memory_space<hbm>>
      %dma_start3A_16 = arith.constant 0 : i32
      %dma_start3A_17 = arith.constant 0 : i32
      %dma_start3A_18 = tpu.memref_slice %dma_start3A_15[%arg1, %dma_start3A_16, %dma_start3A_17] : memref<16x80x128xi32, #tpu.memory_space<hbm>> -> memref<1x80x128xi32, #tpu.memory_space<hbm>>
      %dma_start3A_19 = tpu.memref_squeeze %dma_start3A_18 : memref<1x80x128xi32, #tpu.memory_space<hbm>> -> memref<80x128xi32, #tpu.memory_space<hbm>>
      %dma_start3A_20 = arith.constant 0 : i32
      %dma_start3A_21 = arith.constant 0 : i32
      %dma_start3A_22 = arith.constant 0 : i32
      %dma_start3A_23 = tpu.memref_slice %arg2[%arg0, %dma_start3A_20, %dma_start3A_21, %dma_start3A_22] : memref<2x16x80x128xi32, #tpu.memory_space<hbm>> -> memref<1x16x80x128xi32, #tpu.memory_space<hbm>>
      %dma_start3A_24 = tpu.memref_squeeze %dma_start3A_23 : memref<1x16x80x128xi32, #tpu.memory_space<hbm>> -> memref<16x80x128xi32, #tpu.memory_space<hbm>>
      %dma_start3A_25 = arith.constant 0 : i32
      %dma_start3A_26 = arith.constant 0 : i32
      %dma_start3A_27 = tpu.memref_slice %dma_start3A_24[%arg1, %dma_start3A_25, %dma_start3A_26] : memref<16x80x128xi32, #tpu.memory_space<hbm>> -> memref<1x80x128xi32, #tpu.memory_space<hbm>>
      %dma_start3A_28 = tpu.memref_squeeze %dma_start3A_27 : memref<1x80x128xi32, #tpu.memory_space<hbm>> -> memref<80x128xi32, #tpu.memory_space<hbm>>
      tpu.enqueue_dma source(%dma_start3A_28 : memref<80x128xi32, #tpu.memory_space<hbm>>) target(%arg4 : memref<80x128xi32, #tpu.memory_space<vmem>>) target_semaphore(%run_scoped3A : memref<!tpu.dma_semaphore, #tpu.memory_space<semaphore_mem>>)
      %dma_wait3A = arith.constant 0 : i32
      %dma_wait3A_29 = arith.constant 0 : i32
      %dma_wait3A_30 = arith.constant 0 : i32
      %dma_wait3A_31 = tpu.memref_slice %arg2[%arg0, %dma_wait3A, %dma_wait3A_29, %dma_wait3A_30] : memref<2x16x80x128xi32, #tpu.memory_space<hbm>> -> memref<1x16x80x128xi32, #tpu.memory_space<hbm>>
      %dma_wait3A_32 = tpu.memref_squeeze %dma_wait3A_31 : memref<1x16x80x128xi32, #tpu.memory_space<hbm>> -> memref<16x80x128xi32, #tpu.memory_space<hbm>>
      %dma_wait3A_33 = arith.constant 0 : i32
      %dma_wait3A_34 = arith.constant 0 : i32
      %dma_wait3A_35 = tpu.memref_slice %dma_wait3A_32[%arg1, %dma_wait3A_33, %dma_wait3A_34] : memref<16x80x128xi32, #tpu.memory_space<hbm>> -> memref<1x80x128xi32, #tpu.memory_space<hbm>>
      %dma_wait3A_36 = tpu.memref_squeeze %dma_wait3A_35 : memref<1x80x128xi32, #tpu.memory_space<hbm>> -> memref<80x128xi32, #tpu.memory_space<hbm>>
      %dma_wait3A_37 = arith.constant 0 : i32
      %dma_wait3A_38 = arith.constant 0 : i32
      %dma_wait3A_39 = arith.constant 0 : i32
      %dma_wait3A_40 = tpu.memref_slice %arg2[%arg0, %dma_wait3A_37, %dma_wait3A_38, %dma_wait3A_39] : memref<2x16x80x128xi32, #tpu.memory_space<hbm>> -> memref<1x16x80x128xi32, #tpu.memory_space<hbm>>
      %dma_wait3A_41 = tpu.memref_squeeze %dma_wait3A_40 : memref<1x16x80x128xi32, #tpu.memory_space<hbm>> -> memref<16x80x128xi32, #tpu.memory_space<hbm>>
      %dma_wait3A_42 = arith.constant 0 : i32
      %dma_wait3A_43 = arith.constant 0 : i32
      %dma_wait3A_44 = tpu.memref_slice %dma_wait3A_41[%arg1, %dma_wait3A_42, %dma_wait3A_43] : memref<16x80x128xi32, #tpu.memory_space<hbm>> -> memref<1x80x128xi32, #tpu.memory_space<hbm>>
      %dma_wait3A_45 = tpu.memref_squeeze %dma_wait3A_44 : memref<1x80x128xi32, #tpu.memory_space<hbm>> -> memref<80x128xi32, #tpu.memory_space<hbm>>
      tpu.wait_dma2 semaphore(%run_scoped3A : memref<!tpu.dma_semaphore, #tpu.memory_space<semaphore_mem>>) src(%dma_wait3A_45 : memref<80x128xi32, #tpu.memory_space<hbm>>) dst(%arg4 : memref<80x128xi32, #tpu.memory_space<vmem>>)
      tpu.yield
    }) : () -> ()
    %broadcast_in_dim3A = arith.constant 0.000000e+00 : f32
    %broadcast_in_dim3A_0 = vector.broadcast %broadcast_in_dim3A : f32 to vector<16xf32>
    %scan3A = arith.constant 0 : i32
    %scan3A_1 = arith.constant 16 : i32
    %scan3A_2 = arith.addi %scan3A, %scan3A_1 : i32
    %scan3A_3 = arith.constant 1 : i32
    scf.for %scan3A_12 = %scan3A to %scan3A_2 step %scan3A_3  : i32 {
      %mul3A = arith.constant 1 : i32
      %mul3A_13 = arith.muli %scan3A_12, %mul3A : i32
      %add3A = arith.constant 0 : i32
      %add3A_14 = arith.addi %add3A, %mul3A_13 : i32
      %scan3A_15 = arith.constant 0 : i32
      %scan3A_16 = arith.constant 39 : i32
      %scan3A_17 = arith.addi %scan3A_15, %scan3A_16 : i32
      %scan3A_18 = arith.constant 1 : i32
      scf.for %scan3A_20 = %scan3A_15 to %scan3A_17 step %scan3A_18  : i32 {
        %mul3A_21 = arith.constant 1 : i32
        %mul3A_22 = arith.muli %scan3A_20, %mul3A_21 : i32
        %add3A_23 = arith.constant 0 : i32
        %add3A_24 = arith.addi %add3A_23, %mul3A_22 : i32
        %mul3A_25 = arith.constant 16 : i32
        %mul3A_26 = arith.muli %add3A_24, %mul3A_25 : i32
        %swap3A = arith.index_cast %add3A_14 : i32 to index
        %swap3A_27 = arith.index_cast %mul3A_26 : i32 to index
        %swap3A_28 = tpu.vector_load %arg5[%swap3A, %swap3A_27] {strides = array<i32>} : memref<16x632xf32, #tpu.memory_space<vmem>>, vector<16xf32>,
        tpu.vector_store %arg5[%swap3A, %swap3A_27], %broadcast_in_dim3A_0 {strides = array<i32>} : memref<16x632xf32, #tpu.memory_space<vmem>>, vector<16xf32>,
      }
      %scan3A_19 = arith.constant 39 : i32
    }
    %scan3A_4 = arith.constant 16 : i32
    %broadcast_in_dim3A_5 = arith.constant 1.000000e+00 : f32
    %broadcast_in_dim3A_6 = vector.broadcast %broadcast_in_dim3A_5 : f32 to vector<16xf32>
    %scan3A_7 = arith.constant 0 : i32
    %scan3A_8 = arith.constant 80 : i32
    %scan3A_9 = arith.addi %scan3A_7, %scan3A_8 : i32
    %scan3A_10 = arith.constant 1 : i32
    scf.for %scan3A_12 = %scan3A_7 to %scan3A_9 step %scan3A_10  : i32 {
      %mul3A = arith.constant 1 : i32
      %mul3A_13 = arith.muli %scan3A_12, %mul3A : i32
      %add3A = arith.constant 0 : i32
      %add3A_14 = arith.addi %add3A, %mul3A_13 : i32
      %scan3A_15 = arith.constant 0 : i32
      %scan3A_16 = arith.constant 8 : i32
      %scan3A_17 = arith.addi %scan3A_15, %scan3A_16 : i32
      %scan3A_18 = arith.constant 1 : i32
      scf.for %scan3A_20 = %scan3A_15 to %scan3A_17 step %scan3A_18  : i32 {
        %mul3A_21 = arith.constant 1 : i32
        %mul3A_22 = arith.muli %scan3A_20, %mul3A_21 : i32
        %add3A_23 = arith.constant 0 : i32
        %add3A_24 = arith.addi %add3A_23, %mul3A_22 : i32
        %mul3A_25 = arith.constant 16 : i32
        %mul3A_26 = arith.muli %add3A_24, %mul3A_25 : i32
        %get3A = arith.index_cast %add3A_14 : i32 to index
        %get3A_27 = arith.index_cast %mul3A_26 : i32 to index
        %get3A_28 = tpu.vector_load %arg4[%get3A, %get3A_27] {strides = array<i32>} : memref<80x128xi32, #tpu.memory_space<vmem>>, vector<16xi32>,
        %jit3A = arith.constant 632 : i32
        %div3A = vector.broadcast %jit3A : i32 to vector<16xi32>
        %div3A_29 = arith.divsi %get3A_28, %div3A : vector<16xi32>
        %sign3A = arith.constant 0 : i32
        %sign3A_30 = vector.broadcast %sign3A : i32 to vector<16xi32>
        %sign3A_31 = arith.cmpi sgt, %get3A_28, %sign3A_30 : vector<16xi32>
        %sign3A_32 = arith.extui %sign3A_31 : vector<16xi1> to vector<16xi32>
        %sign3A_33 = arith.constant 0 : i32
        %sign3A_34 = vector.broadcast %sign3A_33 : i32 to vector<16xi32>
        %sign3A_35 = arith.cmpi slt, %get3A_28, %sign3A_34 : vector<16xi32>
        %sign3A_36 = arith.extui %sign3A_35 : vector<16xi1> to vector<16xi32>
        %sign3A_37 = arith.subi %sign3A_32, %sign3A_36 : vector<16xi32>
        %sign3A_38 = arith.constant 0 : i32
        %sign3A_39 = arith.cmpi sgt, %jit3A, %sign3A_38 : i32
        %sign3A_40 = arith.extui %sign3A_39 : i1 to i32
        %sign3A_41 = arith.constant 0 : i32
        %sign3A_42 = arith.cmpi slt, %jit3A, %sign3A_41 : i32
        %sign3A_43 = arith.extui %sign3A_42 : i1 to i32
        %sign3A_44 = arith.subi %sign3A_40, %sign3A_43 : i32
        %ne3A = vector.broadcast %sign3A_44 : i32 to vector<16xi32>
        %ne3A_45 = arith.cmpi ne, %sign3A_37, %ne3A : vector<16xi32>
        %rem3A = vector.broadcast %jit3A : i32 to vector<16xi32>
        %rem3A_46 = arith.remsi %get3A_28, %rem3A : vector<16xi32>
        %ne3A_47 = arith.constant 0 : i32
        %ne3A_48 = vector.broadcast %ne3A_47 : i32 to vector<16xi32>
        %ne3A_49 = arith.cmpi ne, %rem3A_46, %ne3A_48 : vector<16xi32>
        %and3A = arith.andi %ne3A_45, %ne3A_49 : vector<16xi1>
        %sub3A = arith.constant 1 : i32
        %sub3A_50 = vector.broadcast %sub3A : i32 to vector<16xi32>
        %sub3A_51 = arith.subi %div3A_29, %sub3A_50 : vector<16xi32>
        %select_n3A = arith.select %and3A, %sub3A_51, %div3A_29 : vector<16xi1>, vector<16xi32>
        %mul3A_52 = arith.constant 632 : i32
        %mul3A_53 = vector.broadcast %mul3A_52 : i32 to vector<16xi32>
        %mul3A_54 = arith.muli %select_n3A, %mul3A_53 : vector<16xi32>
        %sub3A_55 = arith.subi %get3A_28, %mul3A_54 : vector<16xi32>
        tpu.vector_store_idx %arg5[%select_n3A, %sub3A_55], %broadcast_in_dim3A_6 {add = true} : memref<16x632xf32, #tpu.memory_space<vmem>>[vector<16xi32>, vector<16xi32>], vector<16xf32>,
      }
      %scan3A_19 = arith.constant 8 : i32
    }
    %scan3A_11 = arith.constant 80 : i32
    "tpu.region"() ({
      %run_scoped3A = tpu.sem_alloc : memref<!tpu.dma_semaphore, #tpu.memory_space<semaphore_mem>>
      %dma_start3A = arith.constant 0 : i32
      %dma_start3A_12 = arith.constant 0 : i32
      %dma_start3A_13 = arith.constant 0 : i32
      %dma_start3A_14 = tpu.memref_slice %arg3[%arg0, %dma_start3A, %dma_start3A_12, %dma_start3A_13] : memref<2x16x16x632xf32, #tpu.memory_space<hbm>> -> memref<1x16x16x632xf32, #tpu.memory_space<hbm>>
      %dma_start3A_15 = tpu.memref_squeeze %dma_start3A_14 : memref<1x16x16x632xf32, #tpu.memory_space<hbm>> -> memref<16x16x632xf32, #tpu.memory_space<hbm>>
      %dma_start3A_16 = arith.constant 0 : i32
      %dma_start3A_17 = arith.constant 0 : i32
      %dma_start3A_18 = tpu.memref_slice %dma_start3A_15[%arg1, %dma_start3A_16, %dma_start3A_17] : memref<16x16x632xf32, #tpu.memory_space<hbm>> -> memref<1x16x632xf32, #tpu.memory_space<hbm>>
      %dma_start3A_19 = tpu.memref_squeeze %dma_start3A_18 : memref<1x16x632xf32, #tpu.memory_space<hbm>> -> memref<16x632xf32, #tpu.memory_space<hbm>>
      %dma_start3A_20 = arith.constant 0 : i32
      %dma_start3A_21 = arith.constant 0 : i32
      %dma_start3A_22 = arith.constant 0 : i32
      %dma_start3A_23 = tpu.memref_slice %arg3[%arg0, %dma_start3A_20, %dma_start3A_21, %dma_start3A_22] : memref<2x16x16x632xf32, #tpu.memory_space<hbm>> -> memref<1x16x16x632xf32, #tpu.memory_space<hbm>>
      %dma_start3A_24 = tpu.memref_squeeze %dma_start3A_23 : memref<1x16x16x632xf32, #tpu.memory_space<hbm>> -> memref<16x16x632xf32, #tpu.memory_space<hbm>>
      %dma_start3A_25 = arith.constant 0 : i32
      %dma_start3A_26 = arith.constant 0 : i32
      %dma_start3A_27 = tpu.memref_slice %dma_start3A_24[%arg1, %dma_start3A_25, %dma_start3A_26] : memref<16x16x632xf32, #tpu.memory_space<hbm>> -> memref<1x16x632xf32, #tpu.memory_space<hbm>>
      %dma_start3A_28 = tpu.memref_squeeze %dma_start3A_27 : memref<1x16x632xf32, #tpu.memory_space<hbm>> -> memref<16x632xf32, #tpu.memory_space<hbm>>
      tpu.enqueue_dma source(%arg5 : memref<16x632xf32, #tpu.memory_space<vmem>>) target(%dma_start3A_28 : memref<16x632xf32, #tpu.memory_space<hbm>>) target_semaphore(%run_scoped3A : memref<!tpu.dma_semaphore, #tpu.memory_space<semaphore_mem>>)
      %dma_wait3A = arith.constant 0 : i32
      %dma_wait3A_29 = arith.constant 0 : i32
      %dma_wait3A_30 = arith.constant 0 : i32
      %dma_wait3A_31 = tpu.memref_slice %arg3[%arg0, %dma_wait3A, %dma_wait3A_29, %dma_wait3A_30] : memref<2x16x16x632xf32, #tpu.memory_space<hbm>> -> memref<1x16x16x632xf32, #tpu.memory_space<hbm>>
      %dma_wait3A_32 = tpu.memref_squeeze %dma_wait3A_31 : memref<1x16x16x632xf32, #tpu.memory_space<hbm>> -> memref<16x16x632xf32, #tpu.memory_space<hbm>>
      %dma_wait3A_33 = arith.constant 0 : i32
      %dma_wait3A_34 = arith.constant 0 : i32
      %dma_wait3A_35 = tpu.memref_slice %dma_wait3A_32[%arg1, %dma_wait3A_33, %dma_wait3A_34] : memref<16x16x632xf32, #tpu.memory_space<hbm>> -> memref<1x16x632xf32, #tpu.memory_space<hbm>>
      %dma_wait3A_36 = tpu.memref_squeeze %dma_wait3A_35 : memref<1x16x632xf32, #tpu.memory_space<hbm>> -> memref<16x632xf32, #tpu.memory_space<hbm>>
      %dma_wait3A_37 = arith.constant 0 : i32
      %dma_wait3A_38 = arith.constant 0 : i32
      %dma_wait3A_39 = arith.constant 0 : i32
      %dma_wait3A_40 = tpu.memref_slice %arg3[%arg0, %dma_wait3A_37, %dma_wait3A_38, %dma_wait3A_39] : memref<2x16x16x632xf32, #tpu.memory_space<hbm>> -> memref<1x16x16x632xf32, #tpu.memory_space<hbm>>
      %dma_wait3A_41 = tpu.memref_squeeze %dma_wait3A_40 : memref<1x16x16x632xf32, #tpu.memory_space<hbm>> -> memref<16x16x632xf32, #tpu.memory_space<hbm>>
      %dma_wait3A_42 = arith.constant 0 : i32
      %dma_wait3A_43 = arith.constant 0 : i32
      %dma_wait3A_44 = tpu.memref_slice %dma_wait3A_41[%arg1, %dma_wait3A_42, %dma_wait3A_43] : memref<16x16x632xf32, #tpu.memory_space<hbm>> -> memref<1x16x632xf32, #tpu.memory_space<hbm>>
      %dma_wait3A_45 = tpu.memref_squeeze %dma_wait3A_44 : memref<1x16x632xf32, #tpu.memory_space<hbm>> -> memref<16x632xf32, #tpu.memory_space<hbm>>
      tpu.wait_dma2 semaphore(%run_scoped3A : memref<!tpu.dma_semaphore, #tpu.memory_space<semaphore_mem>>) src(%arg5 : memref<16x632xf32, #tpu.memory_space<vmem>>) dst(%dma_wait3A_45 : memref<16x632xf32, #tpu.memory_space<hbm>>)
      tpu.yield
    }) : () -> ()
    return
  }
}

#map = affine_map<(d0, d1) -> (0, 0)>
#map1 = affine_map<(d0, d1) -> (0, 0, 0, 0)>
#map2 = affine_map<(d0, d1) -> (0, 0, 0)>
module attributes {stable_mosaic.version = 14 : i64} {
  func.func @k(%arg0: i32, %arg1: i32, %arg2: memref<10112x128xf32, #tpu.memory_space<hbm>>, %arg3: memref<2x16x80x128xi32, #tpu.memory_space<hbm>>, %arg4: memref<2x16x80x128xi32, #tpu.memory_space<hbm>>, %arg5: memref<10112x128xf32, #tpu.memory_space<hbm>>, %arg6: memref<2x10112x128xf32, #tpu.memory_space<hbm>>, %arg7: memref<10112x128xf32, #tpu.memory_space<vmem_shared>>, %arg8: memref<80x128xi32, #tpu.memory_space<vmem>>, %arg9: memref<80x128xi32, #tpu.memory_space<vmem>>, %arg10: memref<128x128xf32, #tpu.memory_space<vmem>>) attributes {dimension_semantics = [#tpu.dimension_semantics<core_parallel>, #tpu.dimension_semantics<subcore_parallel>], iteration_bounds = array<i64: 2, 16>, scalar_prefetch = 0 : i64, scratch_operands = 4 : i64, tpu.core_type = #tpu.core_type<sc_vector_subcore>, window_params = [{transform_indices = #map}, {transform_indices = #map1}, {transform_indices = #map1}, {transform_indices = #map}, {transform_indices = #map2}]} {
    %mul3A = arith.constant 632 : i32
    %mul3A_0 = arith.muli %arg1, %mul3A : i32
    %eq3A = arith.constant 0 : i32
    %eq3A_1 = arith.cmpi eq, %arg0, %eq3A : i32
    %convert_element_type3A = arith.extui %eq3A_1 : i1 to i32
    %cond3A = arith.constant 0 : i32
    %cond3A_2 = arith.cmpi ne, %convert_element_type3A, %cond3A : i32
    scf.if %cond3A_2 {
      "tpu.region"() ({
        %run_scoped3A = tpu.sem_alloc : memref<!tpu.dma_semaphore, #tpu.memory_space<semaphore_mem>>
        %dma_start3A = arith.constant 0 : i32
        %dma_start3A_12 = tpu.memref_slice %arg7[%mul3A_0, %dma_start3A] : memref<10112x128xf32, #tpu.memory_space<vmem_shared>> -> memref<632x128xf32, #tpu.memory_space<vmem_shared>>
        %dma_start3A_13 = arith.constant 0 : i32
        %dma_start3A_14 = tpu.memref_slice %arg2[%mul3A_0, %dma_start3A_13] : memref<10112x128xf32, #tpu.memory_space<hbm>> -> memref<632x128xf32, #tpu.memory_space<hbm>>
        tpu.enqueue_dma source(%dma_start3A_14 : memref<632x128xf32, #tpu.memory_space<hbm>>) target(%dma_start3A_12 : memref<632x128xf32, #tpu.memory_space<vmem_shared>>) target_semaphore(%run_scoped3A : memref<!tpu.dma_semaphore, #tpu.memory_space<semaphore_mem>>)
        %dma_wait3A = arith.constant 0 : i32
        %dma_wait3A_15 = tpu.memref_slice %arg7[%mul3A_0, %dma_wait3A] : memref<10112x128xf32, #tpu.memory_space<vmem_shared>> -> memref<632x128xf32, #tpu.memory_space<vmem_shared>>
        %dma_wait3A_16 = arith.constant 0 : i32
        %dma_wait3A_17 = tpu.memref_slice %arg2[%mul3A_0, %dma_wait3A_16] : memref<10112x128xf32, #tpu.memory_space<hbm>> -> memref<632x128xf32, #tpu.memory_space<hbm>>
        tpu.wait_dma2 semaphore(%run_scoped3A : memref<!tpu.dma_semaphore, #tpu.memory_space<semaphore_mem>>) src(%dma_wait3A_17 : memref<632x128xf32, #tpu.memory_space<hbm>>) dst(%dma_wait3A_15 : memref<632x128xf32, #tpu.memory_space<vmem_shared>>)
        tpu.yield
      }) : () -> ()
    } else {
    }
    %ne3A = arith.constant 0 : i32
    %ne3A_3 = arith.cmpi ne, %arg0, %ne3A : i32
    %convert_element_type3A_4 = arith.extui %ne3A_3 : i1 to i32
    %cond3A_5 = arith.constant 0 : i32
    %cond3A_6 = arith.cmpi ne, %convert_element_type3A_4, %cond3A_5 : i32
    scf.if %cond3A_6 {
      "tpu.region"() ({
        %run_scoped3A = tpu.sem_alloc : memref<!tpu.dma_semaphore, #tpu.memory_space<semaphore_mem>>
        %dma_start3A = arith.constant 0 : i32
        %dma_start3A_12 = tpu.memref_slice %arg7[%mul3A_0, %dma_start3A] : memref<10112x128xf32, #tpu.memory_space<vmem_shared>> -> memref<632x128xf32, #tpu.memory_space<vmem_shared>>
        %dma_start3A_13 = arith.constant 0 : i32
        %dma_start3A_14 = tpu.memref_slice %arg5[%mul3A_0, %dma_start3A_13] : memref<10112x128xf32, #tpu.memory_space<hbm>> -> memref<632x128xf32, #tpu.memory_space<hbm>>
        tpu.enqueue_dma source(%dma_start3A_14 : memref<632x128xf32, #tpu.memory_space<hbm>>) target(%dma_start3A_12 : memref<632x128xf32, #tpu.memory_space<vmem_shared>>) target_semaphore(%run_scoped3A : memref<!tpu.dma_semaphore, #tpu.memory_space<semaphore_mem>>)
        %dma_wait3A = arith.constant 0 : i32
        %dma_wait3A_15 = tpu.memref_slice %arg7[%mul3A_0, %dma_wait3A] : memref<10112x128xf32, #tpu.memory_space<vmem_shared>> -> memref<632x128xf32, #tpu.memory_space<vmem_shared>>
        %dma_wait3A_16 = arith.constant 0 : i32
        %dma_wait3A_17 = tpu.memref_slice %arg5[%mul3A_0, %dma_wait3A_16] : memref<10112x128xf32, #tpu.memory_space<hbm>> -> memref<632x128xf32, #tpu.memory_space<hbm>>
        tpu.wait_dma2 semaphore(%run_scoped3A : memref<!tpu.dma_semaphore, #tpu.memory_space<semaphore_mem>>) src(%dma_wait3A_17 : memref<632x128xf32, #tpu.memory_space<hbm>>) dst(%dma_wait3A_15 : memref<632x128xf32, #tpu.memory_space<vmem_shared>>)
        tpu.yield
      }) : () -> ()
    } else {
    }
    "tpu.region"() ({
      %run_scoped3A = tpu.sem_alloc : memref<!tpu.dma_semaphore, #tpu.memory_space<semaphore_mem>>
      %dma_start3A = arith.constant 0 : i32
      %dma_start3A_12 = arith.constant 0 : i32
      %dma_start3A_13 = arith.constant 0 : i32
      %dma_start3A_14 = tpu.memref_slice %arg3[%arg0, %dma_start3A, %dma_start3A_12, %dma_start3A_13] : memref<2x16x80x128xi32, #tpu.memory_space<hbm>> -> memref<1x16x80x128xi32, #tpu.memory_space<hbm>>
      %dma_start3A_15 = tpu.memref_squeeze %dma_start3A_14 : memref<1x16x80x128xi32, #tpu.memory_space<hbm>> -> memref<16x80x128xi32, #tpu.memory_space<hbm>>
      %dma_start3A_16 = arith.constant 0 : i32
      %dma_start3A_17 = arith.constant 0 : i32
      %dma_start3A_18 = tpu.memref_slice %dma_start3A_15[%arg1, %dma_start3A_16, %dma_start3A_17] : memref<16x80x128xi32, #tpu.memory_space<hbm>> -> memref<1x80x128xi32, #tpu.memory_space<hbm>>
      %dma_start3A_19 = tpu.memref_squeeze %dma_start3A_18 : memref<1x80x128xi32, #tpu.memory_space<hbm>> -> memref<80x128xi32, #tpu.memory_space<hbm>>
      %dma_start3A_20 = arith.constant 0 : i32
      %dma_start3A_21 = arith.constant 0 : i32
      %dma_start3A_22 = arith.constant 0 : i32
      %dma_start3A_23 = tpu.memref_slice %arg3[%arg0, %dma_start3A_20, %dma_start3A_21, %dma_start3A_22] : memref<2x16x80x128xi32, #tpu.memory_space<hbm>> -> memref<1x16x80x128xi32, #tpu.memory_space<hbm>>
      %dma_start3A_24 = tpu.memref_squeeze %dma_start3A_23 : memref<1x16x80x128xi32, #tpu.memory_space<hbm>> -> memref<16x80x128xi32, #tpu.memory_space<hbm>>
      %dma_start3A_25 = arith.constant 0 : i32
      %dma_start3A_26 = arith.constant 0 : i32
      %dma_start3A_27 = tpu.memref_slice %dma_start3A_24[%arg1, %dma_start3A_25, %dma_start3A_26] : memref<16x80x128xi32, #tpu.memory_space<hbm>> -> memref<1x80x128xi32, #tpu.memory_space<hbm>>
      %dma_start3A_28 = tpu.memref_squeeze %dma_start3A_27 : memref<1x80x128xi32, #tpu.memory_space<hbm>> -> memref<80x128xi32, #tpu.memory_space<hbm>>
      tpu.enqueue_dma source(%dma_start3A_28 : memref<80x128xi32, #tpu.memory_space<hbm>>) target(%arg8 : memref<80x128xi32, #tpu.memory_space<vmem>>) target_semaphore(%run_scoped3A : memref<!tpu.dma_semaphore, #tpu.memory_space<semaphore_mem>>)
      %dma_wait3A = arith.constant 0 : i32
      %dma_wait3A_29 = arith.constant 0 : i32
      %dma_wait3A_30 = arith.constant 0 : i32
      %dma_wait3A_31 = tpu.memref_slice %arg3[%arg0, %dma_wait3A, %dma_wait3A_29, %dma_wait3A_30] : memref<2x16x80x128xi32, #tpu.memory_space<hbm>> -> memref<1x16x80x128xi32, #tpu.memory_space<hbm>>
      %dma_wait3A_32 = tpu.memref_squeeze %dma_wait3A_31 : memref<1x16x80x128xi32, #tpu.memory_space<hbm>> -> memref<16x80x128xi32, #tpu.memory_space<hbm>>
      %dma_wait3A_33 = arith.constant 0 : i32
      %dma_wait3A_34 = arith.constant 0 : i32
      %dma_wait3A_35 = tpu.memref_slice %dma_wait3A_32[%arg1, %dma_wait3A_33, %dma_wait3A_34] : memref<16x80x128xi32, #tpu.memory_space<hbm>> -> memref<1x80x128xi32, #tpu.memory_space<hbm>>
      %dma_wait3A_36 = tpu.memref_squeeze %dma_wait3A_35 : memref<1x80x128xi32, #tpu.memory_space<hbm>> -> memref<80x128xi32, #tpu.memory_space<hbm>>
      %dma_wait3A_37 = arith.constant 0 : i32
      %dma_wait3A_38 = arith.constant 0 : i32
      %dma_wait3A_39 = arith.constant 0 : i32
      %dma_wait3A_40 = tpu.memref_slice %arg3[%arg0, %dma_wait3A_37, %dma_wait3A_38, %dma_wait3A_39] : memref<2x16x80x128xi32, #tpu.memory_space<hbm>> -> memref<1x16x80x128xi32, #tpu.memory_space<hbm>>
      %dma_wait3A_41 = tpu.memref_squeeze %dma_wait3A_40 : memref<1x16x80x128xi32, #tpu.memory_space<hbm>> -> memref<16x80x128xi32, #tpu.memory_space<hbm>>
      %dma_wait3A_42 = arith.constant 0 : i32
      %dma_wait3A_43 = arith.constant 0 : i32
      %dma_wait3A_44 = tpu.memref_slice %dma_wait3A_41[%arg1, %dma_wait3A_42, %dma_wait3A_43] : memref<16x80x128xi32, #tpu.memory_space<hbm>> -> memref<1x80x128xi32, #tpu.memory_space<hbm>>
      %dma_wait3A_45 = tpu.memref_squeeze %dma_wait3A_44 : memref<1x80x128xi32, #tpu.memory_space<hbm>> -> memref<80x128xi32, #tpu.memory_space<hbm>>
      tpu.wait_dma2 semaphore(%run_scoped3A : memref<!tpu.dma_semaphore, #tpu.memory_space<semaphore_mem>>) src(%dma_wait3A_45 : memref<80x128xi32, #tpu.memory_space<hbm>>) dst(%arg8 : memref<80x128xi32, #tpu.memory_space<vmem>>)
      tpu.yield
    }) : () -> ()
    "tpu.region"() ({
      %run_scoped3A = tpu.sem_alloc : memref<!tpu.dma_semaphore, #tpu.memory_space<semaphore_mem>>
      %dma_start3A = arith.constant 0 : i32
      %dma_start3A_12 = arith.constant 0 : i32
      %dma_start3A_13 = arith.constant 0 : i32
      %dma_start3A_14 = tpu.memref_slice %arg4[%arg0, %dma_start3A, %dma_start3A_12, %dma_start3A_13] : memref<2x16x80x128xi32, #tpu.memory_space<hbm>> -> memref<1x16x80x128xi32, #tpu.memory_space<hbm>>
      %dma_start3A_15 = tpu.memref_squeeze %dma_start3A_14 : memref<1x16x80x128xi32, #tpu.memory_space<hbm>> -> memref<16x80x128xi32, #tpu.memory_space<hbm>>
      %dma_start3A_16 = arith.constant 0 : i32
      %dma_start3A_17 = arith.constant 0 : i32
      %dma_start3A_18 = tpu.memref_slice %dma_start3A_15[%arg1, %dma_start3A_16, %dma_start3A_17] : memref<16x80x128xi32, #tpu.memory_space<hbm>> -> memref<1x80x128xi32, #tpu.memory_space<hbm>>
      %dma_start3A_19 = tpu.memref_squeeze %dma_start3A_18 : memref<1x80x128xi32, #tpu.memory_space<hbm>> -> memref<80x128xi32, #tpu.memory_space<hbm>>
      %dma_start3A_20 = arith.constant 0 : i32
      %dma_start3A_21 = arith.constant 0 : i32
      %dma_start3A_22 = arith.constant 0 : i32
      %dma_start3A_23 = tpu.memref_slice %arg4[%arg0, %dma_start3A_20, %dma_start3A_21, %dma_start3A_22] : memref<2x16x80x128xi32, #tpu.memory_space<hbm>> -> memref<1x16x80x128xi32, #tpu.memory_space<hbm>>
      %dma_start3A_24 = tpu.memref_squeeze %dma_start3A_23 : memref<1x16x80x128xi32, #tpu.memory_space<hbm>> -> memref<16x80x128xi32, #tpu.memory_space<hbm>>
      %dma_start3A_25 = arith.constant 0 : i32
      %dma_start3A_26 = arith.constant 0 : i32
      %dma_start3A_27 = tpu.memref_slice %dma_start3A_24[%arg1, %dma_start3A_25, %dma_start3A_26] : memref<16x80x128xi32, #tpu.memory_space<hbm>> -> memref<1x80x128xi32, #tpu.memory_space<hbm>>
      %dma_start3A_28 = tpu.memref_squeeze %dma_start3A_27 : memref<1x80x128xi32, #tpu.memory_space<hbm>> -> memref<80x128xi32, #tpu.memory_space<hbm>>
      tpu.enqueue_dma source(%dma_start3A_28 : memref<80x128xi32, #tpu.memory_space<hbm>>) target(%arg9 : memref<80x128xi32, #tpu.memory_space<vmem>>) target_semaphore(%run_scoped3A : memref<!tpu.dma_semaphore, #tpu.memory_space<semaphore_mem>>)
      %dma_wait3A = arith.constant 0 : i32
      %dma_wait3A_29 = arith.constant 0 : i32
      %dma_wait3A_30 = arith.constant 0 : i32
      %dma_wait3A_31 = tpu.memref_slice %arg4[%arg0, %dma_wait3A, %dma_wait3A_29, %dma_wait3A_30] : memref<2x16x80x128xi32, #tpu.memory_space<hbm>> -> memref<1x16x80x128xi32, #tpu.memory_space<hbm>>
      %dma_wait3A_32 = tpu.memref_squeeze %dma_wait3A_31 : memref<1x16x80x128xi32, #tpu.memory_space<hbm>> -> memref<16x80x128xi32, #tpu.memory_space<hbm>>
      %dma_wait3A_33 = arith.constant 0 : i32
      %dma_wait3A_34 = arith.constant 0 : i32
      %dma_wait3A_35 = tpu.memref_slice %dma_wait3A_32[%arg1, %dma_wait3A_33, %dma_wait3A_34] : memref<16x80x128xi32, #tpu.memory_space<hbm>> -> memref<1x80x128xi32, #tpu.memory_space<hbm>>
      %dma_wait3A_36 = tpu.memref_squeeze %dma_wait3A_35 : memref<1x80x128xi32, #tpu.memory_space<hbm>> -> memref<80x128xi32, #tpu.memory_space<hbm>>
      %dma_wait3A_37 = arith.constant 0 : i32
      %dma_wait3A_38 = arith.constant 0 : i32
      %dma_wait3A_39 = arith.constant 0 : i32
      %dma_wait3A_40 = tpu.memref_slice %arg4[%arg0, %dma_wait3A_37, %dma_wait3A_38, %dma_wait3A_39] : memref<2x16x80x128xi32, #tpu.memory_space<hbm>> -> memref<1x16x80x128xi32, #tpu.memory_space<hbm>>
      %dma_wait3A_41 = tpu.memref_squeeze %dma_wait3A_40 : memref<1x16x80x128xi32, #tpu.memory_space<hbm>> -> memref<16x80x128xi32, #tpu.memory_space<hbm>>
      %dma_wait3A_42 = arith.constant 0 : i32
      %dma_wait3A_43 = arith.constant 0 : i32
      %dma_wait3A_44 = tpu.memref_slice %dma_wait3A_41[%arg1, %dma_wait3A_42, %dma_wait3A_43] : memref<16x80x128xi32, #tpu.memory_space<hbm>> -> memref<1x80x128xi32, #tpu.memory_space<hbm>>
      %dma_wait3A_45 = tpu.memref_squeeze %dma_wait3A_44 : memref<1x80x128xi32, #tpu.memory_space<hbm>> -> memref<80x128xi32, #tpu.memory_space<hbm>>
      tpu.wait_dma2 semaphore(%run_scoped3A : memref<!tpu.dma_semaphore, #tpu.memory_space<semaphore_mem>>) src(%dma_wait3A_45 : memref<80x128xi32, #tpu.memory_space<hbm>>) dst(%arg9 : memref<80x128xi32, #tpu.memory_space<vmem>>)
      tpu.yield
    }) : () -> ()
    %barrier3A = arith.constant 0 : index
    tpu.barrier barrier_id(%barrier3A)
    %scan3A = arith.constant 0 : i32
    %scan3A_7 = arith.constant 80 : i32
    %scan3A_8 = arith.addi %scan3A, %scan3A_7 : i32
    %scan3A_9 = arith.constant 1 : i32
    scf.for %scan3A_12 = %scan3A to %scan3A_8 step %scan3A_9  : i32 {
      %mul3A_13 = arith.constant 1 : i32
      %mul3A_14 = arith.muli %scan3A_12, %mul3A_13 : i32
      %add3A = arith.constant 0 : i32
      %add3A_15 = arith.addi %add3A, %mul3A_14 : i32
      "tpu.region"() ({
        %run_scoped3A = tpu.sem_alloc : memref<!tpu.dma_semaphore, #tpu.memory_space<semaphore_mem>>
        %dma_start3A = arith.constant 0 : i32
        %dma_start3A_16 = tpu.memref_slice %arg8[%add3A_15, %dma_start3A] : memref<80x128xi32, #tpu.memory_space<vmem>> -> memref<1x128xi32, #tpu.memory_space<vmem>>
        %dma_start3A_17 = tpu.memref_squeeze %dma_start3A_16 : memref<1x128xi32, #tpu.memory_space<vmem>> -> memref<128xi32, #tpu.memory_space<vmem>>
        %dma_start3A_18 = arith.constant 0 : i32
        %dma_start3A_19 = arith.constant 0 : i32
        %dma_start3A_20 = tpu.memref_slice %arg2[%dma_start3A_18, %dma_start3A_19] : memref<10112x128xf32, #tpu.memory_space<hbm>> -> memref<10112x128xf32, #tpu.memory_space<hbm>>
        tpu.enqueue_indirect_dma source(%dma_start3A_20 : memref<10112x128xf32, #tpu.memory_space<hbm>>) target(%arg10 : memref<128x128xf32, #tpu.memory_space<vmem>>) offsets(%dma_start3A_17 : memref<128xi32, #tpu.memory_space<vmem>>) semaphore(%run_scoped3A : memref<!tpu.dma_semaphore, #tpu.memory_space<semaphore_mem>>)
        %dma_wait3A = arith.constant 0 : i32
        %dma_wait3A_21 = tpu.memref_slice %arg8[%add3A_15, %dma_wait3A] : memref<80x128xi32, #tpu.memory_space<vmem>> -> memref<1x128xi32, #tpu.memory_space<vmem>>
        %dma_wait3A_22 = tpu.memref_squeeze %dma_wait3A_21 : memref<1x128xi32, #tpu.memory_space<vmem>> -> memref<128xi32, #tpu.memory_space<vmem>>
        %dma_wait3A_23 = arith.constant 0 : i32
        %dma_wait3A_24 = arith.constant 0 : i32
        %dma_wait3A_25 = tpu.memref_slice %arg2[%dma_wait3A_23, %dma_wait3A_24] : memref<10112x128xf32, #tpu.memory_space<hbm>> -> memref<10112x128xf32, #tpu.memory_space<hbm>>
        tpu.wait_indirect_dma semaphore(%run_scoped3A : memref<!tpu.dma_semaphore, #tpu.memory_space<semaphore_mem>>) src(%dma_wait3A_25 : memref<10112x128xf32, #tpu.memory_space<hbm>>) dst(%arg10 : memref<128x128xf32, #tpu.memory_space<vmem>>)
        tpu.yield
      }) : () -> ()
      "tpu.region"() ({
        %run_scoped3A = tpu.sem_alloc : memref<!tpu.dma_semaphore, #tpu.memory_space<semaphore_mem>>
        %dma_start3A = arith.constant 0 : i32
        %dma_start3A_16 = tpu.memref_slice %arg9[%add3A_15, %dma_start3A] : memref<80x128xi32, #tpu.memory_space<vmem>> -> memref<1x128xi32, #tpu.memory_space<vmem>>
        %dma_start3A_17 = tpu.memref_squeeze %dma_start3A_16 : memref<1x128xi32, #tpu.memory_space<vmem>> -> memref<128xi32, #tpu.memory_space<vmem>>
        %dma_start3A_18 = arith.constant 0 : i32
        %dma_start3A_19 = arith.constant 0 : i32
        %dma_start3A_20 = tpu.memref_slice %arg7[%dma_start3A_18, %dma_start3A_19] : memref<10112x128xf32, #tpu.memory_space<vmem_shared>> -> memref<10112x128xf32, #tpu.memory_space<vmem_shared>>
        tpu.enqueue_indirect_dma source(%arg10 : memref<128x128xf32, #tpu.memory_space<vmem>>) target(%dma_start3A_20 : memref<10112x128xf32, #tpu.memory_space<vmem_shared>>) offsets(%dma_start3A_17 : memref<128xi32, #tpu.memory_space<vmem>>) semaphore(%run_scoped3A : memref<!tpu.dma_semaphore, #tpu.memory_space<semaphore_mem>>) {add = true}
        %dma_wait3A = arith.constant 0 : i32
        %dma_wait3A_21 = tpu.memref_slice %arg9[%add3A_15, %dma_wait3A] : memref<80x128xi32, #tpu.memory_space<vmem>> -> memref<1x128xi32, #tpu.memory_space<vmem>>
        %dma_wait3A_22 = tpu.memref_squeeze %dma_wait3A_21 : memref<1x128xi32, #tpu.memory_space<vmem>> -> memref<128xi32, #tpu.memory_space<vmem>>
        %dma_wait3A_23 = arith.constant 0 : i32
        %dma_wait3A_24 = arith.constant 0 : i32
        %dma_wait3A_25 = tpu.memref_slice %arg7[%dma_wait3A_23, %dma_wait3A_24] : memref<10112x128xf32, #tpu.memory_space<vmem_shared>> -> memref<10112x128xf32, #tpu.memory_space<vmem_shared>>
        tpu.wait_indirect_dma semaphore(%run_scoped3A : memref<!tpu.dma_semaphore, #tpu.memory_space<semaphore_mem>>) src(%arg10 : memref<128x128xf32, #tpu.memory_space<vmem>>) dst(%dma_wait3A_25 : memref<10112x128xf32, #tpu.memory_space<vmem_shared>>)
        tpu.yield
      }) : () -> ()
    }
    %scan3A_10 = arith.constant 80 : i32
    %barrier3A_11 = arith.constant 0 : index
    tpu.barrier barrier_id(%barrier3A_11)
    "tpu.region"() ({
      %run_scoped3A = tpu.sem_alloc : memref<!tpu.dma_semaphore, #tpu.memory_space<semaphore_mem>>
      %dma_start3A = arith.constant 0 : i32
      %dma_start3A_12 = arith.constant 0 : i32
      %dma_start3A_13 = tpu.memref_slice %arg6[%arg0, %dma_start3A, %dma_start3A_12] : memref<2x10112x128xf32, #tpu.memory_space<hbm>> -> memref<1x10112x128xf32, #tpu.memory_space<hbm>>
      %dma_start3A_14 = tpu.memref_squeeze %dma_start3A_13 : memref<1x10112x128xf32, #tpu.memory_space<hbm>> -> memref<10112x128xf32, #tpu.memory_space<hbm>>
      %dma_start3A_15 = arith.constant 0 : i32
      %dma_start3A_16 = tpu.memref_slice %dma_start3A_14[%mul3A_0, %dma_start3A_15] : memref<10112x128xf32, #tpu.memory_space<hbm>> -> memref<632x128xf32, #tpu.memory_space<hbm>>
      %dma_start3A_17 = arith.constant 0 : i32
      %dma_start3A_18 = tpu.memref_slice %arg7[%mul3A_0, %dma_start3A_17] : memref<10112x128xf32, #tpu.memory_space<vmem_shared>> -> memref<632x128xf32, #tpu.memory_space<vmem_shared>>
      tpu.enqueue_dma source(%dma_start3A_18 : memref<632x128xf32, #tpu.memory_space<vmem_shared>>) target(%dma_start3A_16 : memref<632x128xf32, #tpu.memory_space<hbm>>) target_semaphore(%run_scoped3A : memref<!tpu.dma_semaphore, #tpu.memory_space<semaphore_mem>>)
      %dma_wait3A = arith.constant 0 : i32
      %dma_wait3A_19 = arith.constant 0 : i32
      %dma_wait3A_20 = tpu.memref_slice %arg6[%arg0, %dma_wait3A, %dma_wait3A_19] : memref<2x10112x128xf32, #tpu.memory_space<hbm>> -> memref<1x10112x128xf32, #tpu.memory_space<hbm>>
      %dma_wait3A_21 = tpu.memref_squeeze %dma_wait3A_20 : memref<1x10112x128xf32, #tpu.memory_space<hbm>> -> memref<10112x128xf32, #tpu.memory_space<hbm>>
      %dma_wait3A_22 = arith.constant 0 : i32
      %dma_wait3A_23 = tpu.memref_slice %dma_wait3A_21[%mul3A_0, %dma_wait3A_22] : memref<10112x128xf32, #tpu.memory_space<hbm>> -> memref<632x128xf32, #tpu.memory_space<hbm>>
      %dma_wait3A_24 = arith.constant 0 : i32
      %dma_wait3A_25 = tpu.memref_slice %arg7[%mul3A_0, %dma_wait3A_24] : memref<10112x128xf32, #tpu.memory_space<vmem_shared>> -> memref<632x128xf32, #tpu.memory_space<vmem_shared>>
      tpu.wait_dma2 semaphore(%run_scoped3A : memref<!tpu.dma_semaphore, #tpu.memory_space<semaphore_mem>>) src(%dma_wait3A_25 : memref<632x128xf32, #tpu.memory_space<vmem_shared>>) dst(%dma_wait3A_23 : memref<632x128xf32, #tpu.memory_space<hbm>>)
      tpu.yield
    }) : () -> ()
    return
  }
}

module attributes {stable_mosaic.version = 14 : i64} {
  func.func @_tc_dinv_body(%arg0: i32, %arg1: memref<1x32x632xf32, #tpu.memory_space<vmem>>, %arg2: memref<632x1xf32, #tpu.memory_space<vmem>>) attributes {dimension_semantics = [#tpu.dimension_semantics<arbitrary>], iteration_bounds = array<i64: 16>, scalar_prefetch = 0 : i64, scratch_operands = 0 : i64, tpu.core_type = #tpu.core_type<tc>, window_params = [{transform_indices = @transform_0, window_bounds = array<i64: 1, 32, 632>}, {transform_indices = @transform_1, window_bounds = array<i64: 632, 1>}]} {
    %get3A = arith.constant 0 : index
    %get3A_0 = arith.constant 0 : index
    %get3A_1 = arith.constant 0 : index
    %get3A_2 = vector.load %arg1[%get3A, %get3A_0, %get3A_1] : memref<1x32x632xf32, #tpu.memory_space<vmem>>, vector<1x32x632xf32>
    %reduce_sum3A = arith.constant dense<0.000000e+00> : vector<632xf32>
    %reduce_sum3A_3 = vector.multi_reduction <add>, %get3A_2, %reduce_sum3A [0, 1] : vector<1x32x632xf32> to vector<632xf32>
    %add3A = arith.constant 1.000000e+00 : f32
    %add3A_4 = vector.broadcast %add3A : f32 to vector<632xf32>
    %add3A_5 = arith.addf %reduce_sum3A_3, %add3A_4 : vector<632xf32>
    %broadcast_in_dim3A = vector.shape_cast %add3A_5 : vector<632xf32> to vector<1x632xf32>
    %rsqrt3A = math.rsqrt %broadcast_in_dim3A : vector<1x632xf32>
    %transpose3A = tpu.transpose %rsqrt3A, [1, 0] : vector<1x632xf32> -> vector<632x1xf32>
    %swap3A = arith.constant 0 : index
    %swap3A_6 = arith.constant 0 : index
    %swap3A_7 = vector.load %arg2[%swap3A, %swap3A_6] : memref<632x1xf32, #tpu.memory_space<vmem>>, vector<632x1xf32>
    tpu.vector_store %arg2[%swap3A, %swap3A_6], %transpose3A {strides = array<i32>} : memref<632x1xf32, #tpu.memory_space<vmem>>, vector<632x1xf32>,
    return
  }
  func.func @transform_0(%arg0: i32) -> (i32, i32, i32) {
    %c0_i32 = arith.constant 0 : i32
    %c0_i32_0 = arith.constant 0 : i32
    %c0_i32_1 = arith.constant 0 : i32
    return %arg0, %c0_i32, %c0_i32_0 : i32, i32, i32
  }
  func.func @transform_1(%arg0: i32) -> (i32, i32) {
    %c0_i32 = arith.constant 0 : i32
    %c0_i32_0 = arith.constant 0 : i32
    return %arg0, %c0_i32 : i32, i32
  }
}

module attributes {stable_mosaic.version = 14 : i64} {
  func.func @_tc_prescale1_body(%arg0: i32, %arg1: memref<632x128xf32, #tpu.memory_space<vmem>>, %arg2: memref<128x128xf32, #tpu.memory_space<vmem>>, %arg3: memref<632x1xf32, #tpu.memory_space<vmem>>, %arg4: memref<632x128xf32, #tpu.memory_space<vmem>>) attributes {dimension_semantics = [#tpu.dimension_semantics<arbitrary>], iteration_bounds = array<i64: 16>, scalar_prefetch = 0 : i64, scratch_operands = 0 : i64, tpu.core_type = #tpu.core_type<tc>, window_params = [{transform_indices = @transform_0, window_bounds = array<i64: 632, 128>}, {pipeline_mode = #tpu.pipeline_mode<synchronous>, transform_indices = @transform_1, window_bounds = array<i64: 128, 128>}, {transform_indices = @transform_2, window_bounds = array<i64: 632, 1>}, {transform_indices = @transform_3, window_bounds = array<i64: 632, 128>}]} {
    %get3A = arith.constant 0 : index
    %get3A_0 = arith.constant 0 : index
    %get3A_1 = vector.load %arg1[%get3A, %get3A_0] : memref<632x128xf32, #tpu.memory_space<vmem>>, vector<632x128xf32>
    %get3A_2 = arith.constant 0 : index
    %get3A_3 = arith.constant 0 : index
    %get3A_4 = vector.load %arg2[%get3A_2, %get3A_3] : memref<128x128xf32, #tpu.memory_space<vmem>>, vector<128x128xf32>
    %dot_general3A = arith.constant dense<0.000000e+00> : vector<632x128xf32>
    %dot_general3A_5 = tpu.matmul %get3A_1, %get3A_4, %dot_general3A {dimension_numbers = #tpu.dot_dimension_numbers<[1], [1], [0], [0], [0, 0, 1, 0], [], []>, precision = #tpu.contract_precision<fp32>, transpose_lhs_hint = false} : vector<632x128xf32>, vector<128x128xf32>, vector<632x128xf32> -> vector<632x128xf32>
    %get3A_6 = arith.constant 0 : index
    %get3A_7 = arith.constant 0 : index
    %get3A_8 = vector.load %arg3[%get3A_6, %get3A_7] : memref<632x1xf32, #tpu.memory_space<vmem>>, vector<632x1xf32>
    %mul3A = vector.broadcast %get3A_8 : vector<632x1xf32> to vector<632x128xf32>
    %mul3A_9 = arith.mulf %dot_general3A_5, %mul3A : vector<632x128xf32>
    %swap3A = arith.constant 0 : index
    %swap3A_10 = arith.constant 0 : index
    %swap3A_11 = vector.load %arg4[%swap3A, %swap3A_10] : memref<632x128xf32, #tpu.memory_space<vmem>>, vector<632x128xf32>
    tpu.vector_store %arg4[%swap3A, %swap3A_10], %mul3A_9 {strides = array<i32>} : memref<632x128xf32, #tpu.memory_space<vmem>>, vector<632x128xf32>,
    return
  }
  func.func @transform_0(%arg0: i32) -> (i32, i32) {
    %c0_i32 = arith.constant 0 : i32
    %c0_i32_0 = arith.constant 0 : i32
    return %arg0, %c0_i32 : i32, i32
  }
  func.func @transform_1(%arg0: i32) -> (i32, i32) {
    %c0_i32 = arith.constant 0 : i32
    %c0_i32_0 = arith.constant 0 : i32
    %c0_i32_1 = arith.constant 0 : i32
    return %c0_i32, %c0_i32_0 : i32, i32
  }
  func.func @transform_2(%arg0: i32) -> (i32, i32) {
    %c0_i32 = arith.constant 0 : i32
    %c0_i32_0 = arith.constant 0 : i32
    return %arg0, %c0_i32 : i32, i32
  }
  func.func @transform_3(%arg0: i32) -> (i32, i32) {
    %c0_i32 = arith.constant 0 : i32
    %c0_i32_0 = arith.constant 0 : i32
    return %arg0, %c0_i32 : i32, i32
  }
}

module attributes {stable_mosaic.version = 14 : i64} {
  func.func @_tc_mid_body(%arg0: i32, %arg1: memref<2x632x128xf32, #tpu.memory_space<vmem>>, %arg2: memref<632x1xf32, #tpu.memory_space<vmem>>, %arg3: memref<1x128xf32, #tpu.memory_space<vmem>>, %arg4: memref<128x128xf32, #tpu.memory_space<vmem>>, %arg5: memref<632x128xf32, #tpu.memory_space<vmem>>) attributes {dimension_semantics = [#tpu.dimension_semantics<arbitrary>], iteration_bounds = array<i64: 16>, scalar_prefetch = 0 : i64, scratch_operands = 0 : i64, tpu.core_type = #tpu.core_type<tc>, window_params = [{transform_indices = @transform_0, window_bounds = array<i64: 2, 632, 128>}, {transform_indices = @transform_1, window_bounds = array<i64: 632, 1>}, {pipeline_mode = #tpu.pipeline_mode<synchronous>, transform_indices = @transform_2, window_bounds = array<i64: 1, 128>}, {pipeline_mode = #tpu.pipeline_mode<synchronous>, transform_indices = @transform_3, window_bounds = array<i64: 128, 128>}, {transform_indices = @transform_4, window_bounds = array<i64: 632, 128>}]} {
    %get3A = arith.constant 0 : index
    %get3A_0 = arith.constant 0 : index
    %get3A_1 = vector.load %arg2[%get3A, %get3A_0] : memref<632x1xf32, #tpu.memory_space<vmem>>, vector<632x1xf32>
    %get3A_2 = arith.constant 0 : index
    %get3A_3 = arith.constant 0 : index
    %get3A_4 = arith.constant 0 : index
    %get3A_5 = vector.load %arg1[%get3A_2, %get3A_3, %get3A_4] : memref<2x632x128xf32, #tpu.memory_space<vmem>>, vector<1x632x128xf32>
    %get3A_6 = vector.shape_cast %get3A_5 : vector<1x632x128xf32> to vector<632x128xf32>
    %get3A_7 = arith.constant 1 : index
    %get3A_8 = arith.constant 0 : index
    %get3A_9 = arith.constant 0 : index
    %get3A_10 = vector.load %arg1[%get3A_7, %get3A_8, %get3A_9] : memref<2x632x128xf32, #tpu.memory_space<vmem>>, vector<1x632x128xf32>
    %get3A_11 = vector.shape_cast %get3A_10 : vector<1x632x128xf32> to vector<632x128xf32>
    %add3A = arith.addf %get3A_6, %get3A_11 : vector<632x128xf32>
    %mul3A = vector.broadcast %get3A_1 : vector<632x1xf32> to vector<632x128xf32>
    %mul3A_12 = arith.mulf %add3A, %mul3A : vector<632x128xf32>
    %get3A_13 = arith.constant 0 : index
    %get3A_14 = arith.constant 0 : index
    %get3A_15 = vector.load %arg3[%get3A_13, %get3A_14] : memref<1x128xf32, #tpu.memory_space<vmem>>, vector<1x128xf32>
    %add3A_16 = vector.broadcast %get3A_15 : vector<1x128xf32> to vector<632x128xf32>
    %add3A_17 = arith.addf %mul3A_12, %add3A_16 : vector<632x128xf32>
    %max3A = arith.constant 0.000000e+00 : f32
    %max3A_18 = vector.broadcast %max3A : f32 to vector<632x128xf32>
    %max3A_19 = arith.maximumf %add3A_17, %max3A_18 : vector<632x128xf32>
    %get3A_20 = arith.constant 0 : index
    %get3A_21 = arith.constant 0 : index
    %get3A_22 = vector.load %arg4[%get3A_20, %get3A_21] : memref<128x128xf32, #tpu.memory_space<vmem>>, vector<128x128xf32>
    %dot_general3A = arith.constant dense<0.000000e+00> : vector<632x128xf32>
    %dot_general3A_23 = tpu.matmul %max3A_19, %get3A_22, %dot_general3A {dimension_numbers = #tpu.dot_dimension_numbers<[1], [1], [0], [0], [0, 0, 1, 0], [], []>, precision = #tpu.contract_precision<fp32>, transpose_lhs_hint = false} : vector<632x128xf32>, vector<128x128xf32>, vector<632x128xf32> -> vector<632x128xf32>
    %mul3A_24 = vector.broadcast %get3A_1 : vector<632x1xf32> to vector<632x128xf32>
    %mul3A_25 = arith.mulf %dot_general3A_23, %mul3A_24 : vector<632x128xf32>
    %swap3A = arith.constant 0 : index
    %swap3A_26 = arith.constant 0 : index
    %swap3A_27 = vector.load %arg5[%swap3A, %swap3A_26] : memref<632x128xf32, #tpu.memory_space<vmem>>, vector<632x128xf32>
    tpu.vector_store %arg5[%swap3A, %swap3A_26], %mul3A_25 {strides = array<i32>} : memref<632x128xf32, #tpu.memory_space<vmem>>, vector<632x128xf32>,
    return
  }
  func.func @transform_0(%arg0: i32) -> (i32, i32, i32) {
    %c0_i32 = arith.constant 0 : i32
    %c0_i32_0 = arith.constant 0 : i32
    %c0_i32_1 = arith.constant 0 : i32
    return %c0_i32, %arg0, %c0_i32_0 : i32, i32, i32
  }
  func.func @transform_1(%arg0: i32) -> (i32, i32) {
    %c0_i32 = arith.constant 0 : i32
    %c0_i32_0 = arith.constant 0 : i32
    return %arg0, %c0_i32 : i32, i32
  }
  func.func @transform_2(%arg0: i32) -> (i32, i32) {
    %c0_i32 = arith.constant 0 : i32
    %c0_i32_0 = arith.constant 0 : i32
    %c0_i32_1 = arith.constant 0 : i32
    return %c0_i32, %c0_i32_0 : i32, i32
  }
  func.func @transform_3(%arg0: i32) -> (i32, i32) {
    %c0_i32 = arith.constant 0 : i32
    %c0_i32_0 = arith.constant 0 : i32
    %c0_i32_1 = arith.constant 0 : i32
    return %c0_i32, %c0_i32_0 : i32, i32
  }
  func.func @transform_4(%arg0: i32) -> (i32, i32) {
    %c0_i32 = arith.constant 0 : i32
    %c0_i32_0 = arith.constant 0 : i32
    return %arg0, %c0_i32 : i32, i32
  }
}

module attributes {stable_mosaic.version = 14 : i64} {
  func.func @_tc_final_body(%arg0: i32, %arg1: memref<2x632x128xf32, #tpu.memory_space<vmem>>, %arg2: memref<632x1xf32, #tpu.memory_space<vmem>>, %arg3: memref<1x128xf32, #tpu.memory_space<vmem>>, %arg4: memref<1x1x632xi32, #tpu.memory_space<vmem>>, %arg5: memref<1x128xf32, #tpu.memory_space<vmem>>, %arg6: memref<1x1xf32, #tpu.memory_space<vmem>>, %arg7: memref<64x1xf32, #tpu.memory_space<vmem>>, %arg8: memref<64x128xf32, #tpu.memory_space<vmem>>, %arg9: memref<64x128xf32, #tpu.memory_space<vmem>>) attributes {dimension_semantics = [#tpu.dimension_semantics<arbitrary>], iteration_bounds = array<i64: 16>, scalar_prefetch = 0 : i64, scratch_operands = 2 : i64, tpu.core_type = #tpu.core_type<tc>, window_params = [{transform_indices = @transform_0, window_bounds = array<i64: 2, 632, 128>}, {transform_indices = @transform_1, window_bounds = array<i64: 632, 1>}, {pipeline_mode = #tpu.pipeline_mode<synchronous>, transform_indices = @transform_2, window_bounds = array<i64: 1, 128>}, {transform_indices = @transform_3, window_bounds = array<i64: 1, 1, 632>}, {pipeline_mode = #tpu.pipeline_mode<synchronous>, transform_indices = @transform_4, window_bounds = array<i64: 1, 128>}, {pipeline_mode = #tpu.pipeline_mode<synchronous>, transform_indices = @transform_5, window_bounds = array<i64: 1, 1>}, {pipeline_mode = #tpu.pipeline_mode<synchronous>, transform_indices = @transform_6, window_bounds = array<i64: 64, 1>}]} {
    %eq3A = arith.constant 0 : i32
    %eq3A_0 = arith.cmpi eq, %arg0, %eq3A : i32
    %convert_element_type3A = arith.extui %eq3A_0 : i1 to i32
    %cond3A = arith.constant 0 : i32
    %cond3A_1 = arith.cmpi ne, %convert_element_type3A, %cond3A : i32
    scf.if %cond3A_1 {
      %broadcast_in_dim3A_63 = arith.constant 0.000000e+00 : f32
      %broadcast_in_dim3A_64 = vector.broadcast %broadcast_in_dim3A_63 : f32 to vector<64x128xf32>
      %swap3A_65 = arith.constant 0 : index
      %swap3A_66 = arith.constant 0 : index
      %swap3A_67 = vector.load %arg8[%swap3A_65, %swap3A_66] : memref<64x128xf32, #tpu.memory_space<vmem>>, vector<64x128xf32>
      tpu.vector_store %arg8[%swap3A_65, %swap3A_66], %broadcast_in_dim3A_64 {strides = array<i32>} : memref<64x128xf32, #tpu.memory_space<vmem>>, vector<64x128xf32>,
      %broadcast_in_dim3A_68 = arith.constant 0.000000e+00 : f32
      %broadcast_in_dim3A_69 = vector.broadcast %broadcast_in_dim3A_68 : f32 to vector<64x128xf32>
      %swap3A_70 = arith.constant 0 : index
      %swap3A_71 = arith.constant 0 : index
      %swap3A_72 = vector.load %arg9[%swap3A_70, %swap3A_71] : memref<64x128xf32, #tpu.memory_space<vmem>>, vector<64x128xf32>
      tpu.vector_store %arg9[%swap3A_70, %swap3A_71], %broadcast_in_dim3A_69 {strides = array<i32>} : memref<64x128xf32, #tpu.memory_space<vmem>>, vector<64x128xf32>,
    } else {
    }
    %get3A = arith.constant 0 : index
    %get3A_2 = arith.constant 0 : index
    %get3A_3 = vector.load %arg2[%get3A, %get3A_2] : memref<632x1xf32, #tpu.memory_space<vmem>>, vector<632x1xf32>
    %get3A_4 = arith.constant 0 : index
    %get3A_5 = arith.constant 0 : index
    %get3A_6 = arith.constant 0 : index
    %get3A_7 = vector.load %arg1[%get3A_4, %get3A_5, %get3A_6] : memref<2x632x128xf32, #tpu.memory_space<vmem>>, vector<1x632x128xf32>
    %get3A_8 = vector.shape_cast %get3A_7 : vector<1x632x128xf32> to vector<632x128xf32>
    %get3A_9 = arith.constant 1 : index
    %get3A_10 = arith.constant 0 : index
    %get3A_11 = arith.constant 0 : index
    %get3A_12 = vector.load %arg1[%get3A_9, %get3A_10, %get3A_11] : memref<2x632x128xf32, #tpu.memory_space<vmem>>, vector<1x632x128xf32>
    %get3A_13 = vector.shape_cast %get3A_12 : vector<1x632x128xf32> to vector<632x128xf32>
    %add3A = arith.addf %get3A_8, %get3A_13 : vector<632x128xf32>
    %mul3A = vector.broadcast %get3A_3 : vector<632x1xf32> to vector<632x128xf32>
    %mul3A_14 = arith.mulf %add3A, %mul3A : vector<632x128xf32>
    %get3A_15 = arith.constant 0 : index
    %get3A_16 = arith.constant 0 : index
    %get3A_17 = vector.load %arg3[%get3A_15, %get3A_16] : memref<1x128xf32, #tpu.memory_space<vmem>>, vector<1x128xf32>
    %add3A_18 = vector.broadcast %get3A_17 : vector<1x128xf32> to vector<632x128xf32>
    %add3A_19 = arith.addf %mul3A_14, %add3A_18 : vector<632x128xf32>
    %max3A = arith.constant 0.000000e+00 : f32
    %max3A_20 = vector.broadcast %max3A : f32 to vector<632x128xf32>
    %max3A_21 = arith.maximumf %add3A_19, %max3A_20 : vector<632x128xf32>
    %mul3A_22 = arith.constant 632 : i32
    %mul3A_23 = arith.muli %arg0, %mul3A_22 : i32
    %iota3A = tpu.iota {dimensions = array<i32: 0>} : vector<632x1xi32>
    %add3A_24 = vector.broadcast %mul3A_23 : i32 to vector<632x1xi32>
    %add3A_25 = arith.addi %add3A_24, %iota3A : vector<632x1xi32>
    %lt3A = arith.constant 10000 : i32
    %lt3A_26 = vector.broadcast %lt3A : i32 to vector<632x1xi32>
    %lt3A_27 = arith.cmpi slt, %add3A_25, %lt3A_26 : vector<632x1xi32>
    %jit3A = arith.constant 0.000000e+00 : f32
    %broadcast_in_dim3A = vector.shape_cast %lt3A_27 : vector<632x1xi1> to vector<632x1xi1>
    %broadcast_in_dim3A_28 = vector.broadcast %broadcast_in_dim3A : vector<632x1xi1> to vector<632x128xi1>
    %broadcast_in_dim3A_29 = vector.broadcast %jit3A : f32 to vector<632x128xf32>
    %select_n3A = arith.select %broadcast_in_dim3A_28, %max3A_21, %broadcast_in_dim3A_29 : vector<632x128xi1>, vector<632x128xf32>
    %get3A_30 = arith.constant 0 : index
    %get3A_31 = arith.constant 0 : index
    %get3A_32 = arith.constant 0 : index
    %get3A_33 = vector.load %arg4[%get3A_30, %get3A_31, %get3A_32] : memref<1x1x632xi32, #tpu.memory_space<vmem>>, vector<1x1x632xi32>
    %get3A_34 = vector.shape_cast %get3A_33 : vector<1x1x632xi32> to vector<1x632xi32>
    %iota3A_35 = tpu.iota {dimensions = array<i32: 0>} : vector<64x632xi32>
    %eq3A_36 = vector.broadcast %get3A_34 : vector<1x632xi32> to vector<64x632xi32>
    %eq3A_37 = arith.cmpi eq, %iota3A_35, %eq3A_36 : vector<64x632xi32>
    %convert_element_type3A_38 = arith.extui %eq3A_37 : vector<64x632xi1> to vector<64x632xi32>
    %convert_element_type3A_39 = arith.sitofp %convert_element_type3A_38 : vector<64x632xi32> to vector<64x632xf32>
    %get3A_40 = arith.constant 0 : index
    %get3A_41 = arith.constant 0 : index
    %get3A_42 = vector.load %arg8[%get3A_40, %get3A_41] : memref<64x128xf32, #tpu.memory_space<vmem>>, vector<64x128xf32>
    %dot_general3A = arith.constant dense<0.000000e+00> : vector<64x128xf32>
    %dot_general3A_43 = tpu.matmul %convert_element_type3A_39, %select_n3A, %dot_general3A {dimension_numbers = #tpu.dot_dimension_numbers<[1], [0], [0], [1], [0, 0, 1, 1], [], []>, precision = #tpu.contract_precision<fp32>, transpose_lhs_hint = false} : vector<64x632xf32>, vector<632x128xf32>, vector<64x128xf32> -> vector<64x128xf32>
    %add3A_44 = arith.addf %get3A_42, %dot_general3A_43 : vector<64x128xf32>
    %swap3A = arith.constant 0 : index
    %swap3A_45 = arith.constant 0 : index
    %swap3A_46 = vector.load %arg8[%swap3A, %swap3A_45] : memref<64x128xf32, #tpu.memory_space<vmem>>, vector<64x128xf32>
    tpu.vector_store %arg8[%swap3A, %swap3A_45], %add3A_44 {strides = array<i32>} : memref<64x128xf32, #tpu.memory_space<vmem>>, vector<64x128xf32>,
    %get3A_47 = arith.constant 0 : index
    %get3A_48 = arith.constant 0 : index
    %get3A_49 = vector.load %arg9[%get3A_47, %get3A_48] : memref<64x128xf32, #tpu.memory_space<vmem>>, vector<64x128xf32>
    %reduce_sum3A = arith.constant dense<0.000000e+00> : vector<64xf32>
    %reduce_sum3A_50 = vector.multi_reduction <add>, %convert_element_type3A_39, %reduce_sum3A [1] : vector<64x632xf32> to vector<64xf32>
    %broadcast_in_dim3A_51 = vector.shape_cast %reduce_sum3A_50 : vector<64xf32> to vector<64x1xf32>
    %broadcast_in_dim3A_52 = vector.shape_cast %broadcast_in_dim3A_51 : vector<64x1xf32> to vector<64x1xf32>
    %broadcast_in_dim3A_53 = vector.broadcast %broadcast_in_dim3A_52 : vector<64x1xf32> to vector<64x128xf32>
    %add3A_54 = arith.addf %get3A_49, %broadcast_in_dim3A_53 : vector<64x128xf32>
    %swap3A_55 = arith.constant 0 : index
    %swap3A_56 = arith.constant 0 : index
    %swap3A_57 = vector.load %arg9[%swap3A_55, %swap3A_56] : memref<64x128xf32, #tpu.memory_space<vmem>>, vector<64x128xf32>
    tpu.vector_store %arg9[%swap3A_55, %swap3A_56], %add3A_54 {strides = array<i32>} : memref<64x128xf32, #tpu.memory_space<vmem>>, vector<64x128xf32>,
    %eq3A_58 = arith.constant 15 : i32
    %eq3A_59 = arith.cmpi eq, %arg0, %eq3A_58 : i32
    %convert_element_type3A_60 = arith.extui %eq3A_59 : i1 to i32
    %cond3A_61 = arith.constant 0 : i32
    %cond3A_62 = arith.cmpi ne, %convert_element_type3A_60, %cond3A_61 : i32
    scf.if %cond3A_62 {
      %get3A_63 = arith.constant 0 : index
      %get3A_64 = arith.constant 0 : index
      %get3A_65 = vector.load %arg8[%get3A_63, %get3A_64] : memref<64x128xf32, #tpu.memory_space<vmem>>, vector<64x128xf32>
      %get3A_66 = arith.constant 0 : index
      %get3A_67 = arith.constant 0 : index
      %get3A_68 = vector.load %arg9[%get3A_66, %get3A_67] : memref<64x128xf32, #tpu.memory_space<vmem>>, vector<64x128xf32>
      %max3A_69 = arith.constant 1.000000e+00 : f32
      %max3A_70 = vector.broadcast %max3A_69 : f32 to vector<64x128xf32>
      %max3A_71 = arith.maximumf %get3A_68, %max3A_70 : vector<64x128xf32>
      %div3A = arith.divf %get3A_65, %max3A_71 : vector<64x128xf32>
      %get3A_72 = arith.constant 0 : index
      %get3A_73 = arith.constant 0 : index
      %get3A_74 = vector.load %arg5[%get3A_72, %get3A_73] : memref<1x128xf32, #tpu.memory_space<vmem>>, vector<1x128xf32>
      %mul3A_75 = vector.broadcast %get3A_74 : vector<1x128xf32> to vector<64x128xf32>
      %mul3A_76 = arith.mulf %div3A, %mul3A_75 : vector<64x128xf32>
      %reduce_sum3A_77 = arith.constant dense<0.000000e+00> : vector<64xf32>
      %reduce_sum3A_78 = vector.multi_reduction <add>, %mul3A_76, %reduce_sum3A_77 [1] : vector<64x128xf32> to vector<64xf32>
      %broadcast_in_dim3A_79 = vector.shape_cast %reduce_sum3A_78 : vector<64xf32> to vector<64x1xf32>
      %get3A_80 = arith.constant 0 : index
      %get3A_81 = arith.constant 0 : index
      %get3A_82 = vector.load %arg6[%get3A_80, %get3A_81] : memref<1x1xf32, #tpu.memory_space<vmem>>, vector<1x1xf32>
      %get3A_83 = vector.extract %get3A_82[0, 0] : f32 from vector<1x1xf32>
      %add3A_84 = vector.broadcast %get3A_83 : f32 to vector<64x1xf32>
      %add3A_85 = arith.addf %broadcast_in_dim3A_79, %add3A_84 : vector<64x1xf32>
      %swap3A_86 = arith.constant 0 : index
      %swap3A_87 = arith.constant 0 : index
      %swap3A_88 = vector.load %arg7[%swap3A_86, %swap3A_87] : memref<64x1xf32, #tpu.memory_space<vmem>>, vector<64x1xf32>
      tpu.vector_store %arg7[%swap3A_86, %swap3A_87], %add3A_85 {strides = array<i32>} : memref<64x1xf32, #tpu.memory_space<vmem>>, vector<64x1xf32>,
    } else {
    }
    return
  }
  func.func @transform_0(%arg0: i32) -> (i32, i32, i32) {
    %c0_i32 = arith.constant 0 : i32
    %c0_i32_0 = arith.constant 0 : i32
    %c0_i32_1 = arith.constant 0 : i32
    return %c0_i32, %arg0, %c0_i32_0 : i32, i32, i32
  }
  func.func @transform_1(%arg0: i32) -> (i32, i32) {
    %c0_i32 = arith.constant 0 : i32
    %c0_i32_0 = arith.constant 0 : i32
    return %arg0, %c0_i32 : i32, i32
  }
  func.func @transform_2(%arg0: i32) -> (i32, i32) {
    %c0_i32 = arith.constant 0 : i32
    %c0_i32_0 = arith.constant 0 : i32
    %c0_i32_1 = arith.constant 0 : i32
    return %c0_i32, %c0_i32_0 : i32, i32
  }
  func.func @transform_3(%arg0: i32) -> (i32, i32, i32) {
    %c0_i32 = arith.constant 0 : i32
    %c0_i32_0 = arith.constant 0 : i32
    %c0_i32_1 = arith.constant 0 : i32
    return %arg0, %c0_i32, %c0_i32_0 : i32, i32, i32
  }
  func.func @transform_4(%arg0: i32) -> (i32, i32) {
    %c0_i32 = arith.constant 0 : i32
    %c0_i32_0 = arith.constant 0 : i32
    %c0_i32_1 = arith.constant 0 : i32
    return %c0_i32, %c0_i32_0 : i32, i32
  }
  func.func @transform_5(%arg0: i32) -> (i32, i32) {
    %c0_i32 = arith.constant 0 : i32
    %c0_i32_0 = arith.constant 0 : i32
    %c0_i32_1 = arith.constant 0 : i32
    return %c0_i32, %c0_i32_0 : i32, i32
  }
  func.func @transform_6(%arg0: i32) -> (i32, i32) {
    %c0_i32 = arith.constant 0 : i32
    %c0_i32_0 = arith.constant 0 : i32
    %c0_i32_1 = arith.constant 0 : i32
    return %c0_i32, %c0_i32_0 : i32, i32
  }
}

</mosaic_0001>

<sc_bundles>
// kernel: kernel.12.cloned.1.call-start
scs
__scs_entry_jumppad:
0x0: {  	(pc) =	sbr.rel $0x88, $3  }
0x1: {  	(tag) =	ssettag $0x0;
	lr =	simm.s32 $0x1  }
0x2: {  	[smem:$0x3F98] =	sst lr;
	_ =	strace $0xD0000000  }
0x3: {  	_ = 	snop  }
0x4: {  	_ = 	snop  }
0x5: {  	_ = 	snop  }
0x6: {  	_ = 	snop  }
0x7: {  	_ = 	snop  }
__scs_overlays_trampoline_lowered:
0x8: {  	[smem:$0x3FA7] =	sst s0  }
0x9: {  	[smem:$0x3FA8] =	sst s1  }
0xa: {  	[smem:$0x3FA9] =	sst s2  }
0xb: {  	[smem:$0x3FAA] =	sst s3  }
0xc: {  	[smem:$0x3FAB] =	sst s4  }
0xd: {  	[smem:$0x3FAC] =	sst s5  }
0xe: {  	[smem:$0x3FAD] =	sst s6  }
0xf: {  	[smem:$0x3FAE] =	sst s7  }
0x10: {  	[smem:$0x3FAF] =	sst s8  }
0x11: {  	[smem:$0x3FB0] =	sst s9;
	s0 =	simm.s32 @!p0 $0x0  }
0x12: {  	s1 =	sld [smem:$0x3F96];
	s0 =	simm.s32 @p0 $0x1  }
0x13: {  	[smem:$0x3FB1] =	sst s0;
	s0 =	simm.s32 @!p1 $0x0  }
0x14: {  	s2 =	sld [smem:$0x3F95];
	s0 =	simm.s32 @p1 $0x1  }
0x15: {  	[smem:$0x3FB2] =	sst s0;
	s0 =	simm.s32 @!p2 $0x0  }
0x16: {  	s3 =	sld [smem:$0x3FDB];
	s0 =	simm.s32 @p2 $0x1  }
0x17: {  	s4 =	simm.s32 $0x1BF5;
	[smem:$0x3FB4] =	sst s0  }
0x18: {  	s0 =	sld [smem:$0x3F97];
	_ =	swait.ge [sflag:s4], $0x0  }
0x19: {  	s7 =	sld [smem:$0x3F98]  }
0x1a: {  	s8 =	sadd.s32 $0xFFFFE003, lr  }
0x1b: {  	s9 =	sadd.s32 $0xFFFFFEF7, lr;
	s5 =	simm.s32 $0xFFFFFFFF;
	p2 =	slt.u32 s8, $0xFFFFF086  }
0x1c: {  	p1 =	slt.u32 s9, $0xF7A;
	s5 =	simm.s32 @!p2 $0x0  }
0x1d: {  	s5 =	simm.s32 @p1 $0x1;
	p0 =	seq.s32 s7, s2  }
0x1e: {  	s7 =	smul.u32 @!p0 $0xF7A, s2;
	p2 =	seq.s32 @!p0 s5, $0x0  }
0x1f: {  	s9 =	smul.u32 $0xF7A, s1;
	s8 =	simm.s32 @!p0 $0x1BF5;
	p2 =	por !p2, p0  }
0x20: {  	[sflag:s8] =	ssyncset.s32 @!p0 $0xFFFFF086;
	s6 =	sadd.s32 @!p0 s3, s7;
	s7 =	simm.s32 @!p0 $0x108  }
0x21: {  	s3 =	sadd.s32 s3, s9;
	s6 =	sadd.s32 @!p0 $0x88, s6;
	s7 =	simm.s32 @p2 $0x1082  }
0x22: {  	[simem:s7], [sflag:s8] =	dma.local @!p0 [hbm:s6], $0xF7A  }
0x23: {  	s9 =	sor.u32 $0xD0000000, s2;
	s6 =	simm.s32 $0x108;
	_ =	swait.ge @!p0 [sflag:s8], $0x0  }
0x24: {  	s3 =	sadd.s32 $0x88, s3;
	s6 =	simm.s32 @!p1 $0x1082;
	[sflag:s4] =	ssyncset.s32 $0xFFFFF086  }
0x25: {  	[simem:s6], [sflag:s4] =	dma.local [hbm:s3], $0xF7A  }
0x26: {  	[smem:$0x3F98] =	sst s1;
	(tag) =	ssettag s2;
	_ =	strace s9  }
0x27: {  	s1 =	sld [smem:$0x3FA8]  }
0x28: {  	s2 =	sld [smem:$0x3FA9]  }
0x29: {  	s4 =	sld [smem:$0x3FAB]  }
0x2a: {  	p0 =	seq.s32 s5, $0x0;
	s5 =	sld [smem:$0x3FAC]  }
0x2b: {  	s6 =	sld [smem:$0x3FAD]  }
0x2c: {  	s7 =	sld [smem:$0x3FAE]  }
0x2d: {  	s3 =	simm.s32 $0x108;
	s8 =	sld [smem:$0x3FAF]  }
0x2e: {  	s3 =	simm.s32 @!p0 $0x1082;
	s9 =	sld [smem:$0x3FB0]  }
0x2f: {  	lr =	sadd.s32 s0, s3;
	s0 =	sld [smem:$0x3FA7]  }
0x30: {  	s3 =	sld [smem:$0x3FAA]  }
0x31: {  	[smem:$0x3FB3] =	sst s10  }
0x32: {  	s10 =	sld [smem:$0x3FB1];
	_ =	sdelay $0x3  }
0x33: {  	p0 =	seq.s32 s10, $0x1;
	s10 =	sld [smem:$0x3FB3];
	_ =	sdelay $0x3  }
0x34: {  	[smem:$0x3FB3] =	sst s10  }
0x35: {  	s10 =	sld [smem:$0x3FB2];
	_ =	sdelay $0x3  }
0x36: {  	p1 =	seq.s32 s10, $0x1;
	s10 =	sld [smem:$0x3FB3];
	_ =	sdelay $0x3  }
0x37: {  	[smem:$0x3FB3] =	sst s10  }
0x38: {  	s10 =	sld [smem:$0x3FB4]  }
0x39: {  	_ = 	snop;
	(pc) =	sbr.ind lr, $3  }
0x3a: {  	_ = 	snop  }
0x3b: {  	_ = 	snop  }
0x3c: {  	p2 =	seq.s32 s10, $0x1;
	s10 =	sld [smem:$0x3FB3]  }
0x3d: {  	_ =	shalt  }
0x3e: {  	_ =	shalt  }
0x3f: {  	_ =	shalt  }
0x40: {  	_ =	shalt  }
0x41: {  	_ =	shalt  }
0x42: {  	_ =	shalt  }
0x43: {  	_ =	shalt  }
0x44: {  	_ =	shalt  }
0x45: {  	_ =	shalt  }
0x46: {  	_ =	shalt  }
0x47: {  	_ =	shalt  }
0x48: {  	_ =	shalt  }
0x49: {  	_ =	shalt  }
0x4a: {  	_ =	shalt  }
0x4b: {  	_ =	shalt  }
0x4c: {  	_ =	shalt  }
0x4d: {  	_ =	shalt  }
0x4e: {  	_ =	shalt  }
0x4f: {  	_ =	shalt  }
0x50: {  	_ =	shalt  }
0x51: {  	_ =	shalt  }
0x52: {  	_ =	shalt  }
0x53: {  	_ =	shalt  }
0x54: {  	_ =	shalt  }
0x55: {  	_ =	shalt  }
0x56: {  	_ =	shalt  }
0x57: {  	_ =	shalt  }
0x58: {  	_ =	shalt  }
0x59: {  	_ =	shalt  }
0x5a: {  	_ =	shalt  }
0x5b: {  	_ =	shalt  }
0x5c: {  	_ =	shalt  }
0x5d: {  	_ =	shalt  }
0x5e: {  	_ =	shalt  }
0x5f: {  	_ =	shalt  }
0x60: {  	_ =	shalt  }
0x61: {  	_ =	shalt  }
0x62: {  	_ =	shalt  }
0x63: {  	_ =	shalt  }
0x64: {  	_ =	shalt  }
0x65: {  	_ =	shalt  }
0x66: {  	_ =	shalt  }
0x67: {  	_ =	shalt  }
0x68: {  	_ =	shalt  }
0x69: {  	_ =	shalt  }
0x6a: {  	_ =	shalt  }
0x6b: {  	_ =	shalt  }
0x6c: {  	_ =	shalt  }
0x6d: {  	_ =	shalt  }
0x6e: {  	_ =	shalt  }
0x6f: {  	_ =	shalt  }
0x70: {  	_ =	shalt  }
0x71: {  	_ =	shalt  }
0x72: {  	_ =	shalt  }
0x73: {  	_ =	shalt  }
0x74: {  	_ =	shalt  }
0x75: {  	_ =	shalt  }
0x76: {  	_ =	shalt  }
0x77: {  	_ =	shalt  }
0x78: {  	_ =	shalt  }
0x79: {  	_ =	shalt  }
0x7a: {  	_ =	shalt  }
0x7b: {  	_ =	shalt  }
0x7c: {  	_ =	shalt  }
0x7d: {  	_ =	shalt  }
0x7e: {  	_ =	shalt  }
0x7f: {  	_ =	shalt  }
0x80: {  	_ =	shalt  }
0x81: {  	_ =	shalt  }
0x82: {  	_ =	shalt  }
0x83: {  	_ =	shalt  }
0x84: {  	_ =	shalt  }
0x85: {  	_ =	shalt  }
0x86: {  	_ =	shalt  }
0x87: {  	_ =	shalt  }
.Lfunc_end0:
.L_simem_size_0:
called_computation.1_lowered:
.L_overlay_start_0:
0x88: {  	s2 =	sld [smem:$0x3FD9]  }
0x89: {  	s3 =	sld [smem:$0x3FFE];
	_ =	sdelay $0x1  }
0x8a: {  	s1 =	srdreg.scid  }
0x8b: {  	s0 =	sand.u32 $0x1, s1  }
0x8c: {  	s16 =	sshll.u32 s0, $0xA;
	s2 =	sadd.s32 s3, s2  }
0x8d: {  	s2 =	sadd.s32 s2, s16  }
0x8e: {  	[smem:$0x3FBF] =	sst s2  }
0x8f: {  	_ = 	snop  }
0x90: {  	(tm) =	ssettm $0x1  }
0x91: {  	s17 =	sld [smem:$0x3FFB];
	_ =	sdelay $0x3  }
0x92: {  	_ =	strace s17  }
0x93: {  	s2 =	sld [smem:$0x3FFC];
	_ =	sdelay $0x3  }
0x94: {  	_ =	strace s2  }
0x95: {  	s2 =	sld [smem:$0x3FFD];
	_ =	sdelay $0x3  }
0x96: {  	_ =	strace s2  }
0x97: {  	_ =	strace $0x8FFFFFFF  }
0x98: {  	s18 =	sld [smem:$0x3FDB];
	_ =	sdelay $0x1  }
0x99: {  	s19 =	simm.s32 $_scs_section_size  }
0x9a: {  	s4 =	simm.s32 $_size__tile_overlayer_lowered;
	s5 =	simm.s32 $_tile_overlayer_lowered  }
0x9b: {  	s22 =	simm.s32 $0x1BFF;
	s21 =	sshll.u32 s5, $0x1;
	s2 =	sadd.s32 s19, s18  }
0x9c: {  	s6 =	simm.s32 $0x0;
	s20 =	sshll.u32 s4, $0x1;
	s4 =	sadd.s32 s21, s2  }
0x9d: {  	[timem:s6], [sflag:s22] =	dma.local [hbm:s4], s20  }
0x9e: {  	_ =	swait.ge [sflag:s22], s20  }
0x9f: {  	s3 =	ssub.s32 $0x0, s20;
	[sflag:s22] =	ssyncset.done $0x0  }
0xa0: {  	[sflag:s22] =	ssyncadd.s32 s3;
	_ =	sdelay $0x1  }
0xa1: {  	s23 =	simm.s32 $0x1B8B  }
0xa2: {  	_ =	swait.ge [sflag:s23], $0x1  }
0xa3: {  	[sflag:s23] =	ssyncset.done $0x0  }
0xa4: {  	s25 =	simm.s32 $0x1B8E;
	s24 =	sld [smem:$0x3FFE];
	[sflag:s23] =	ssyncadd.s32 $0xFFFFFFFF  }
0xa5: {  	s26 =	simm.s32 $execute0_lowered;
	[smem:$0x3FD2] =	sst s25  }
0xa6: {  	s4 =	sshll.u32 s26, $0x1;
	_ =	strace $0x80000049;
	[dreg:$0x1] =	wrdreg $0xFFFFFFFF  }
0xa7: {  	s28 =	simm.s32 $_size_execute0_lowered;
	s2 =	sadd.s32 s2, s4;
	[dreg:$0x0] =	wrdreg $0x0  }
0xa8: {  	s4 =	sshll.u32 s28, $0x1;
	[dreg:$0x2] =	wrdreg s2  }
0xa9: {  	[dreg:$0x3] =	wrdreg s4  }
0xaa: {  	[dreg:$0x4] =	wrdreg $0xC0  }
0xab: {  	_ =	task [dreg:s6], $0x5FFFF  }
0xac: {  	[dreg:$0x1] =	wrdreg $0xFFFFFFFF  }
0xad: {  	[dreg:$0x0] =	wrdreg $0x60  }
0xae: {  	[dreg:$0x2] =	wrdreg s24  }
0xaf: {  	[dreg:$0x3] =	wrdreg $0x0  }
0xb0: {  	[dreg:$0x4] =	wrdreg $0x9  }
0xb1: {  	_ =	task.clear_ibuf [dreg:s6], $0x5FFFF;
	_ =	strace $0x90000049  }
0xb2: {  	s29 =	simm.s32 $0x9;
	_ =	strace $0x8000004B  }
0xb3: {  	_ =	swait.ge [sflag:s29], $0x1  }
0xb4: {  	[sflag:s29] =	ssyncadd.s32 $0xFFFFFFFF  }
0xb5: {  	_ =	strace $0x9000004B  }
0xb6: {  	_ =	sfence  }
0xb7: {  	s30 =	sld [smem:$0x0];
	_ =	sdelay $0x2  }
0xb8: {  	s31 =	sshll.u32 s1, $0xD;
	s1 =	sshrl.u32 s1, $0x2  }
0xb9: {  	s3 =	sand.u32 $0x4000, s31;
	s1 =	sadd.s32 s1, s30  }
0xba: {  	s0 =	sor.u32 s3, s0;
	s1 =	sshll.u32 s1, $0x11  }
0xbb: {  	s0 =	sor.u32 s1, s0  }
0xbc: {  	s0 =	sadd.s32 $0x8F2B, s0  }
0xbd: {  	[sflag:s0] =	ssyncadd.remote.s32 $0x1  }
0xbe: {  	_ =	sfence.sel $0xFFFF  }
0xbf: {  	[dreg:$0x0] =	wrdreg $0xFFFFFFFF;
	(pc) =	sbr.abs _section_cstart, $3  }
0xc0: {  	[dreg:$0x1] =	wrdreg $0xFFFFFFFF  }
0xc1: {  	_ =	task.clear_ibuf [dreg:s6], $0x2FFFF;
	_ =	strace $0x9FFFFFFF  }
0xc2: {  	(tm) =	ssettm $0x7FFFFFFF  }
0xc3: {  	_ =	shalt  }
tec
execute0_lowered:
.L_overlay_start_1:
0x0: {  	(tag) =	ssettag $0x1  }
0x1: {  	s5 =	rddreg [dreg:$0x0]  }
0x2: {  	s1 =	rddreg [dreg:$0x1];
	s3 =	srdreg.scid  }
0x3: {  	s0 =	rddreg [dreg:$0x2];
	s2 =	simm.s32 $0x0;
	s6 =	sand.u32 $0x1, s3  }
0x4: {  	s14 =	simm.s32 $0x80;
	[smem:$0x7FF] =	sst s2;
	s7 =	smul.u32 $0x5000, s6  }
0x5: {  	s15 =	simm.s32 $0x18C00;
	s3 =	stileid.u32;
	s8 =	smul.u32 $0x27800, s6  }
0x6: {  	s4 =	sadd.s32 $0x20000, s5;
	s11 =	sadd.s32 $0x47800, s5;
	s10 =	smul.u32 $0x4F000, s3  }
0x7: {  	_ =	strace $0x8000004A;
	s9 =	ssub.s32 $0x2, s6;
	s16 =	smul.u32 $0x2780, s3  }
0x8: {  	p0 =	seq.s32 s6, $0x0;
	s12 =	smul.u32 $0x500, s3;
	s31 =	sshll.u32 s3, $0x6  }
0x9: {  	s26 =	sshrl.u32 s9, $0x1;
	s11 =	smov.u32 @p0 s4;
	s7 =	sadd.s32 s7, s5  }
0xa: {  	s5 =	sadd.s32 s8, s5;
	s8 =	ssub.s32 s9, s26;
	s28 =	sshrl.u32 s10, $0x2  }
0xb: {  	s6 =	sadd.s32 s11, s16;
	s9 =	simm.s32 $0x1;
	s11 =	simm.s32 $0x13C00  }
0xc: {  	s29 =	sadd.s32 s28, s1;
	s30 =	sadd.s32 $0x16000, s7;
	s13 =	sadd.s32 $0x2000, s7  }
0xd: {  	s17 =	sadd.s32 $0x6F000, s5;
	s5 =	smax.u32 s8, $0x1;
	s7 =	sor.u32 $0x1C01, s31  }
0xe: {  	s8 =	sshrl.u32 s29, $0x3;
	s10 =	sadd.s32 s12, s30;
	s12 =	sadd.s32 s12, s13  }
0xf: {  	s13 =	simm.s32 $0x16400;
	s16 =	sadd.s32 s16, s17;
	s17 =	simm.s32 $0x0  }
.LBB2_1:
0x10: {  	[spmem:s8], [sflag:s7] =	dma.local [hbm:s6], $0x2780  }
0x11: {  	_ =	swait.ge [sflag:s9], $0x2780  }
0x12: {  	[sflag:s9] =	ssyncset.done $0x0  }
0x13: {  	[sflag:s9] =	ssyncadd.s32 $0xFFFFD880  }
0x14: {  	[tilespmem:s11], [sflag:$0x1] =	stream.linear.gather [hbm4b:s10+s2], $0x2800, $0x38;
	[tilespmem:$0x1CC00] =	vst v63  }
0x15: {  	_ =	swait.ge [sflag:s9], $0x2800  }
0x16: {  	[sflag:s9] =	ssyncset.done $0x0  }
0x17: {  	[sflag:s9] =	ssyncadd.s32 $0xFFFFD800  }
0x18: {  	[tilespmem:s13], [sflag:$0x1] =	stream.linear.gather [hbm4b:s12+s2], $0x2800, $0x38;
	[tilespmem:$0x1CC00] =	vst v63  }
0x19: {  	_ =	swait.ge [sflag:s9], $0x2800  }
0x1a: {  	[sflag:s9] =	ssyncset.done $0x0  }
0x1b: {  	[sflag:s9] =	ssyncadd.s32 $0xFFFFD800  }
0x1c: {  	s18 =	simm.s32 $0x13C00;
	[bflag:$0x0] =	sbarrier.arrive $0xFFFF  }
0x1d: {  	[tilespmem:s15], [sflag:$0x1] =	stream.indirect.gather [hbm4b:s4+s14], $0x80, s18, s14, $0xb8;
	[tilespmem:$0x1CC00] =	vst v63  }
0x1e: {  	_ =	swait.ge [sflag:s9], $0x4000  }
0x1f: {  	[sflag:s9] =	ssyncset.done $0x0  }
0x20: {  	s31 =	simm.s32 $0x16400;
	[sflag:s9] =	ssyncadd.s32 $0xFFFFC000  }
0x21: {  	[spmem:s1] =	stream.indirect.scatter.add.f32 [tilespmem:s15], [sflag:$0x1], $0x80, s31, s14, $0xb8;
	[tilespmem:$0x1CC00] =	vst v63  }
0x22: {  	_ =	swait.ge [sflag:s9], $0x4000  }
0x23: {  	s19 =	simm.s32 $0x400;
	s18 =	simm.s32 $0x80;
	[sflag:s9] =	ssyncset.done $0x0  }
.LBB2_2:
0x24: {  	s20 =	sadd.s32 $0x13C00, s18  }
0x25: {  	[sflag:s9] =	ssyncadd.s32 $0xFFFFC000;
	s21 =	smov.u32 s19;
	s22 =	sadd.s32 $0x200, s19  }
0x26: {  	[tilespmem:s15], [sflag:$0x1] =	stream.indirect.gather [hbm4b:s4+s14], $0x80, s20, s14, $0xb8;
	[tilespmem:$0x1CC00] =	vst v63  }
0x27: {  	p0 =	sne.s32 s19, $0x9E00;
	_ =	swait.ge [sflag:s9], $0x4000  }
.Ltmp0:
0x28: {  	[sflag:s9] =	ssyncset.done $0x0;
	(pc) =	sbr.rel @p0 .LBB2_2-.Ltmp0, $4  }
0x29: {  	s18 =	sadd.s32 $0x16400, s18;
	[sflag:s9] =	ssyncadd.s32 $0xFFFFC000  }
0x2a: {  	[spmem:s1] =	stream.indirect.scatter.add.f32 [tilespmem:s15], [sflag:$0x1], $0x80, s18, s14, $0xb8;
	[tilespmem:$0x1CC00] =	vst v63  }
0x2b: {  	_ =	swait.ge [sflag:s9], $0x4000  }
0x2c: {  	s19 =	smov.u32 s22;
	s18 =	sshra.s32 s21, $0x2;
	[sflag:s9] =	ssyncset.done $0x0  }
0x2d: {  	s19 =	sadd.s32 $0x13C00, s18;
	[sflag:s9] =	ssyncadd.s32 $0xFFFFC000  }
0x2e: {  	[tilespmem:s15], [sflag:$0x1] =	stream.indirect.gather [hbm4b:s4+s14], $0x80, s19, s14, $0xb8;
	[tilespmem:$0x1CC00] =	vst v63  }
0x2f: {  	_ =	swait.ge [sflag:s9], $0x4000  }
0x30: {  	[sflag:s9] =	ssyncset.done $0x0  }
0x31: {  	s31 =	sadd.s32 $0x16400, s18;
	[sflag:s9] =	ssyncadd.s32 $0xFFFFC000  }
0x32: {  	[spmem:s1] =	stream.indirect.scatter.add.f32 [tilespmem:s15], [sflag:$0x1], $0x80, s31, s14, $0xb8;
	[tilespmem:$0x1CC00] =	vst v63  }
0x33: {  	_ =	swait.ge [sflag:s9], $0x4000  }
0x34: {  	s17 =	sadd.s32 $0x1, s17;
	[sflag:s9] =	ssyncset.done $0x0  }
0x35: {  	p0 =	sne.s32 s17, s5;
	[sflag:s9] =	ssyncadd.s32 $0xFFFFC000  }
.Ltmp1:
0x36: {  	[bflag:$0x0] =	sbarrier.arrive $0xFFFF;
	(pc) =	sbr.rel @p0 .LBB2_1-.Ltmp1, $4  }
0x37: {  	[hbm:s16], [sflag:s7] =	dma.local [spmem:s8], $0x2780  }
0x38: {  	_ =	swait.ge [sflag:s9], $0x2780  }
0x39: {  	[sflag:s9] =	ssyncset.done $0x0  }
0x3a: {  	[sflag:s9] =	ssyncadd.s32 $0xFFFFD880  }
0x3b: {  	_ =	sfence.sel $0x180000  }
0x3c: {  	[bflag:$0x0] =	sbarrier.arrive $0xFFFF  }
0x3d: {  	p0 =	sne.s32 s3, $0x0;
	_ =	strace $0x9000004A  }
0x3e: {  	s0 =	sadd.s32 @!p0 $0x100000, s0;
	[bflag:$0x2] =	sbarrier.arrive $0xFFFF  }
0x3f: {  	[sflag:s0] =	ssyncadd.tile.s32 @!p0 $0x1;
	_ =	shalt  }
.Lfunc_end2:
_tile_overlayer_lowered:
.L_overlay_start_2:
0x40: {  	(tag) =	ssettag $0x2  }
0x41: {  	s0 =	rddreg [dreg:$0x0];
	s2 =	stileid.u32  }
0x42: {  	s1 =	rddreg [dreg:$0x1];
	p0 =	sne.s32 s2, $0x0  }
0x43: {  	s3 =	rddreg [dreg:$0x2];
	[bflag:$0x3] =	sbarrier.arrive $0xFFFF;
	s2 =	simm.s32 @!p0 $0x1C01  }
0x44: {  	[timem:s3], [sflag:s2] =	dma.local @!p0 [hbm:s0], s1  }
0x45: {  	s0 =	simm.s32 @!p0 $0x1  }
0x46: {  	_ =	swait.ge @!p0 [sflag:s0], s1  }
0x47: {  	s1 =	ssub.s32 @!p0 $0x0, s1;
	[sflag:s0] =	ssyncset.done @!p0 $0x0  }
0x48: {  	[sflag:s0] =	ssyncadd.s32 @!p0 s1  }
0x49: {  	[bflag:$0x3] =	sbarrier.arrive $0xFFFF  }
0x4a: {  	_ =	shalt  }

// kernel: kernel.15.cloned.1.call-start
scs
__scs_entry_jumppad:
0x0: {  	(pc) =	sbr.rel $0x88, $3  }
0x1: {  	(tag) =	ssettag $0x0;
	lr =	simm.s32 $0x1  }
0x2: {  	[smem:$0x3F98] =	sst lr;
	_ =	strace $0xD0000000  }
0x3: {  	_ = 	snop  }
0x4: {  	_ = 	snop  }
0x5: {  	_ = 	snop  }
0x6: {  	_ = 	snop  }
0x7: {  	_ = 	snop  }
__scs_overlays_trampoline_lowered:
0x8: {  	[smem:$0x3FA7] =	sst s0  }
0x9: {  	[smem:$0x3FA8] =	sst s1  }
0xa: {  	[smem:$0x3FA9] =	sst s2  }
0xb: {  	[smem:$0x3FAA] =	sst s3  }
0xc: {  	[smem:$0x3FAB] =	sst s4  }
0xd: {  	[smem:$0x3FAC] =	sst s5  }
0xe: {  	[smem:$0x3FAD] =	sst s6  }
0xf: {  	[smem:$0x3FAE] =	sst s7  }
0x10: {  	[smem:$0x3FAF] =	sst s8  }
0x11: {  	[smem:$0x3FB0] =	sst s9;
	s0 =	simm.s32 @!p0 $0x0  }
0x12: {  	s1 =	sld [smem:$0x3F96];
	s0 =	simm.s32 @p0 $0x1  }
0x13: {  	[smem:$0x3FB1] =	sst s0;
	s0 =	simm.s32 @!p1 $0x0  }
0x14: {  	s2 =	sld [smem:$0x3F95];
	s0 =	simm.s32 @p1 $0x1  }
0x15: {  	[smem:$0x3FB2] =	sst s0;
	s0 =	simm.s32 @!p2 $0x0  }
0x16: {  	s3 =	sld [smem:$0x3FDB];
	s0 =	simm.s32 @p2 $0x1  }
0x17: {  	s4 =	simm.s32 $0x1BF5;
	[smem:$0x3FB4] =	sst s0  }
0x18: {  	s0 =	sld [smem:$0x3F97];
	_ =	swait.ge [sflag:s4], $0x0  }
0x19: {  	s7 =	sld [smem:$0x3F98]  }
0x1a: {  	s8 =	sadd.s32 $0xFFFFE003, lr  }
0x1b: {  	s9 =	sadd.s32 $0xFFFFFEF7, lr;
	s5 =	simm.s32 $0xFFFFFFFF;
	p2 =	slt.u32 s8, $0xFFFFF086  }
0x1c: {  	p1 =	slt.u32 s9, $0xF7A;
	s5 =	simm.s32 @!p2 $0x0  }
0x1d: {  	s5 =	simm.s32 @p1 $0x1;
	p0 =	seq.s32 s7, s2  }
0x1e: {  	s7 =	smul.u32 @!p0 $0xF7A, s2;
	p2 =	seq.s32 @!p0 s5, $0x0  }
0x1f: {  	s9 =	smul.u32 $0xF7A, s1;
	s8 =	simm.s32 @!p0 $0x1BF5;
	p2 =	por !p2, p0  }
0x20: {  	[sflag:s8] =	ssyncset.s32 @!p0 $0xFFFFF086;
	s6 =	sadd.s32 @!p0 s3, s7;
	s7 =	simm.s32 @!p0 $0x108  }
0x21: {  	s3 =	sadd.s32 s3, s9;
	s6 =	sadd.s32 @!p0 $0x88, s6;
	s7 =	simm.s32 @p2 $0x1082  }
0x22: {  	[simem:s7], [sflag:s8] =	dma.local @!p0 [hbm:s6], $0xF7A  }
0x23: {  	s9 =	sor.u32 $0xD0000000, s2;
	s6 =	simm.s32 $0x108;
	_ =	swait.ge @!p0 [sflag:s8], $0x0  }
0x24: {  	s3 =	sadd.s32 $0x88, s3;
	s6 =	simm.s32 @!p1 $0x1082;
	[sflag:s4] =	ssyncset.s32 $0xFFFFF086  }
0x25: {  	[simem:s6], [sflag:s4] =	dma.local [hbm:s3], $0xF7A  }
0x26: {  	[smem:$0x3F98] =	sst s1;
	(tag) =	ssettag s2;
	_ =	strace s9  }
0x27: {  	s1 =	sld [smem:$0x3FA8]  }
0x28: {  	s2 =	sld [smem:$0x3FA9]  }
0x29: {  	s4 =	sld [smem:$0x3FAB]  }
0x2a: {  	p0 =	seq.s32 s5, $0x0;
	s5 =	sld [smem:$0x3FAC]  }
0x2b: {  	s6 =	sld [smem:$0x3FAD]  }
0x2c: {  	s7 =	sld [smem:$0x3FAE]  }
0x2d: {  	s3 =	simm.s32 $0x108;
	s8 =	sld [smem:$0x3FAF]  }
0x2e: {  	s3 =	simm.s32 @!p0 $0x1082;
	s9 =	sld [smem:$0x3FB0]  }
0x2f: {  	lr =	sadd.s32 s0, s3;
	s0 =	sld [smem:$0x3FA7]  }
0x30: {  	s3 =	sld [smem:$0x3FAA]  }
0x31: {  	[smem:$0x3FB3] =	sst s10  }
0x32: {  	s10 =	sld [smem:$0x3FB1];
	_ =	sdelay $0x3  }
0x33: {  	p0 =	seq.s32 s10, $0x1;
	s10 =	sld [smem:$0x3FB3];
	_ =	sdelay $0x3  }
0x34: {  	[smem:$0x3FB3] =	sst s10  }
0x35: {  	s10 =	sld [smem:$0x3FB2];
	_ =	sdelay $0x3  }
0x36: {  	p1 =	seq.s32 s10, $0x1;
	s10 =	sld [smem:$0x3FB3];
	_ =	sdelay $0x3  }
0x37: {  	[smem:$0x3FB3] =	sst s10  }
0x38: {  	s10 =	sld [smem:$0x3FB4]  }
0x39: {  	_ = 	snop;
	(pc) =	sbr.ind lr, $3  }
0x3a: {  	_ = 	snop  }
0x3b: {  	_ = 	snop  }
0x3c: {  	p2 =	seq.s32 s10, $0x1;
	s10 =	sld [smem:$0x3FB3]  }
0x3d: {  	_ =	shalt  }
0x3e: {  	_ =	shalt  }
0x3f: {  	_ =	shalt  }
0x40: {  	_ =	shalt  }
0x41: {  	_ =	shalt  }
0x42: {  	_ =	shalt  }
0x43: {  	_ =	shalt  }
0x44: {  	_ =	shalt  }
0x45: {  	_ =	shalt  }
0x46: {  	_ =	shalt  }
0x47: {  	_ =	shalt  }
0x48: {  	_ =	shalt  }
0x49: {  	_ =	shalt  }
0x4a: {  	_ =	shalt  }
0x4b: {  	_ =	shalt  }
0x4c: {  	_ =	shalt  }
0x4d: {  	_ =	shalt  }
0x4e: {  	_ =	shalt  }
0x4f: {  	_ =	shalt  }
0x50: {  	_ =	shalt  }
0x51: {  	_ =	shalt  }
0x52: {  	_ =	shalt  }
0x53: {  	_ =	shalt  }
0x54: {  	_ =	shalt  }
0x55: {  	_ =	shalt  }
0x56: {  	_ =	shalt  }
0x57: {  	_ =	shalt  }
0x58: {  	_ =	shalt  }
0x59: {  	_ =	shalt  }
0x5a: {  	_ =	shalt  }
0x5b: {  	_ =	shalt  }
0x5c: {  	_ =	shalt  }
0x5d: {  	_ =	shalt  }
0x5e: {  	_ =	shalt  }
0x5f: {  	_ =	shalt  }
0x60: {  	_ =	shalt  }
0x61: {  	_ =	shalt  }
0x62: {  	_ =	shalt  }
0x63: {  	_ =	shalt  }
0x64: {  	_ =	shalt  }
0x65: {  	_ =	shalt  }
0x66: {  	_ =	shalt  }
0x67: {  	_ =	shalt  }
0x68: {  	_ =	shalt  }
0x69: {  	_ =	shalt  }
0x6a: {  	_ =	shalt  }
0x6b: {  	_ =	shalt  }
0x6c: {  	_ =	shalt  }
0x6d: {  	_ =	shalt  }
0x6e: {  	_ =	shalt  }
0x6f: {  	_ =	shalt  }
0x70: {  	_ =	shalt  }
0x71: {  	_ =	shalt  }
0x72: {  	_ =	shalt  }
0x73: {  	_ =	shalt  }
0x74: {  	_ =	shalt  }
0x75: {  	_ =	shalt  }
0x76: {  	_ =	shalt  }
0x77: {  	_ =	shalt  }
0x78: {  	_ =	shalt  }
0x79: {  	_ =	shalt  }
0x7a: {  	_ =	shalt  }
0x7b: {  	_ =	shalt  }
0x7c: {  	_ =	shalt  }
0x7d: {  	_ =	shalt  }
0x7e: {  	_ =	shalt  }
0x7f: {  	_ =	shalt  }
0x80: {  	_ =	shalt  }
0x81: {  	_ =	shalt  }
0x82: {  	_ =	shalt  }
0x83: {  	_ =	shalt  }
0x84: {  	_ =	shalt  }
0x85: {  	_ =	shalt  }
0x86: {  	_ =	shalt  }
0x87: {  	_ =	shalt  }
.Lfunc_end0:
.L_simem_size_0:
called_computation.2_lowered:
.L_overlay_start_0:
0x88: {  	s2 =	sld [smem:$0x3FD9]  }
0x89: {  	s3 =	sld [smem:$0x3FFE];
	_ =	sdelay $0x1  }
0x8a: {  	s1 =	srdreg.scid  }
0x8b: {  	s0 =	sand.u32 $0x1, s1  }
0x8c: {  	s16 =	sshll.u32 s0, $0xA;
	s2 =	sadd.s32 s3, s2  }
0x8d: {  	s2 =	sadd.s32 s2, s16  }
0x8e: {  	[smem:$0x3FBF] =	sst s2  }
0x8f: {  	_ = 	snop  }
0x90: {  	(tm) =	ssettm $0x1  }
0x91: {  	s17 =	sld [smem:$0x3FFB];
	_ =	sdelay $0x3  }
0x92: {  	_ =	strace s17  }
0x93: {  	s2 =	sld [smem:$0x3FFC];
	_ =	sdelay $0x3  }
0x94: {  	_ =	strace s2  }
0x95: {  	s2 =	sld [smem:$0x3FFD];
	_ =	sdelay $0x3  }
0x96: {  	_ =	strace s2  }
0x97: {  	_ =	strace $0x8FFFFFFF  }
0x98: {  	s18 =	sld [smem:$0x3FDB];
	_ =	sdelay $0x1  }
0x99: {  	s19 =	simm.s32 $_scs_section_size  }
0x9a: {  	s4 =	simm.s32 $_size__tile_overlayer_lowered;
	s5 =	simm.s32 $_tile_overlayer_lowered  }
0x9b: {  	s22 =	simm.s32 $0x1BFF;
	s21 =	sshll.u32 s5, $0x1;
	s2 =	sadd.s32 s19, s18  }
0x9c: {  	s6 =	simm.s32 $0x0;
	s20 =	sshll.u32 s4, $0x1;
	s4 =	sadd.s32 s21, s2  }
0x9d: {  	[timem:s6], [sflag:s22] =	dma.local [hbm:s4], s20  }
0x9e: {  	_ =	swait.ge [sflag:s22], s20  }
0x9f: {  	s3 =	ssub.s32 $0x0, s20;
	[sflag:s22] =	ssyncset.done $0x0  }
0xa0: {  	[sflag:s22] =	ssyncadd.s32 s3;
	_ =	sdelay $0x1  }
0xa1: {  	s23 =	simm.s32 $0x1B8B  }
0xa2: {  	_ =	swait.ge [sflag:s23], $0x1  }
0xa3: {  	[sflag:s23] =	ssyncset.done $0x0  }
0xa4: {  	s25 =	simm.s32 $0x1B8E;
	s24 =	sld [smem:$0x3FFE];
	[sflag:s23] =	ssyncadd.s32 $0xFFFFFFFF  }
0xa5: {  	s26 =	simm.s32 $execute0_lowered;
	[smem:$0x3FD2] =	sst s25  }
0xa6: {  	s4 =	sshll.u32 s26, $0x1;
	_ =	strace $0x8000004C;
	[dreg:$0x1] =	wrdreg $0xFFFFFFFF  }
0xa7: {  	s28 =	simm.s32 $_size_execute0_lowered;
	s2 =	sadd.s32 s2, s4;
	[dreg:$0x0] =	wrdreg $0x0  }
0xa8: {  	s4 =	sshll.u32 s28, $0x1;
	[dreg:$0x2] =	wrdreg s2  }
0xa9: {  	[dreg:$0x3] =	wrdreg s4  }
0xaa: {  	[dreg:$0x4] =	wrdreg $0xC0  }
0xab: {  	_ =	task [dreg:s6], $0x5FFFF  }
0xac: {  	[dreg:$0x1] =	wrdreg $0xFFFFFFFF  }
0xad: {  	[dreg:$0x0] =	wrdreg $0x60  }
0xae: {  	[dreg:$0x2] =	wrdreg s24  }
0xaf: {  	[dreg:$0x3] =	wrdreg $0x0  }
0xb0: {  	[dreg:$0x4] =	wrdreg $0x9  }
0xb1: {  	_ =	task.clear_ibuf [dreg:s6], $0x5FFFF;
	_ =	strace $0x9000004C  }
0xb2: {  	s29 =	simm.s32 $0x9;
	_ =	strace $0x8000004E  }
0xb3: {  	_ =	swait.ge [sflag:s29], $0x1  }
0xb4: {  	[sflag:s29] =	ssyncadd.s32 $0xFFFFFFFF  }
0xb5: {  	_ =	strace $0x9000004E  }
0xb6: {  	_ =	sfence  }
0xb7: {  	s30 =	sld [smem:$0x0];
	_ =	sdelay $0x2  }
0xb8: {  	s31 =	sshll.u32 s1, $0xD;
	s1 =	sshrl.u32 s1, $0x2  }
0xb9: {  	s3 =	sand.u32 $0x4000, s31;
	s1 =	sadd.s32 s1, s30  }
0xba: {  	s0 =	sor.u32 s3, s0;
	s1 =	sshll.u32 s1, $0x11  }
0xbb: {  	s0 =	sor.u32 s1, s0  }
0xbc: {  	s0 =	sadd.s32 $0x8F2B, s0  }
0xbd: {  	[sflag:s0] =	ssyncadd.remote.s32 $0x1  }
0xbe: {  	_ =	sfence.sel $0xFFFF  }
0xbf: {  	[dreg:$0x0] =	wrdreg $0xFFFFFFFF;
	(pc) =	sbr.abs _section_cstart, $3  }
0xc0: {  	[dreg:$0x1] =	wrdreg $0xFFFFFFFF  }
0xc1: {  	_ =	task.clear_ibuf [dreg:s6], $0x2FFFF;
	_ =	strace $0x9FFFFFFF  }
0xc2: {  	(tm) =	ssettm $0x7FFFFFFF  }
0xc3: {  	_ =	shalt  }
tec
execute0_lowered:
.L_overlay_start_1:
0x0: {  	(tag) =	ssettag $0x1  }
0x1: {  	s5 =	rddreg [dreg:$0x0]  }
0x2: {  	s1 =	rddreg [dreg:$0x1];
	s3 =	srdreg.scid  }
0x3: {  	s0 =	rddreg [dreg:$0x2];
	s2 =	simm.s32 $0x0;
	s6 =	sand.u32 $0x1, s3  }
0x4: {  	s14 =	simm.s32 $0x80;
	[smem:$0x7FF] =	sst s2;
	s7 =	smul.u32 $0x5000, s6  }
0x5: {  	s15 =	simm.s32 $0x18C00;
	s3 =	stileid.u32;
	s8 =	smul.u32 $0x27800, s6  }
0x6: {  	s4 =	sadd.s32 $0x20000, s5;
	s11 =	sadd.s32 $0x47800, s5;
	s10 =	smul.u32 $0x4F000, s3  }
0x7: {  	_ =	strace $0x8000004D;
	s9 =	ssub.s32 $0x2, s6;
	s16 =	smul.u32 $0x2780, s3  }
0x8: {  	p0 =	seq.s32 s6, $0x0;
	s12 =	smul.u32 $0x500, s3;
	s31 =	sshll.u32 s3, $0x6  }
0x9: {  	s26 =	sshrl.u32 s9, $0x1;
	s11 =	smov.u32 @p0 s4;
	s7 =	sadd.s32 s7, s5  }
0xa: {  	s5 =	sadd.s32 s8, s5;
	s8 =	ssub.s32 s9, s26;
	s28 =	sshrl.u32 s10, $0x2  }
0xb: {  	s6 =	sadd.s32 s11, s16;
	s9 =	simm.s32 $0x1;
	s11 =	simm.s32 $0x13C00  }
0xc: {  	s29 =	sadd.s32 s28, s1;
	s30 =	sadd.s32 $0x16000, s7;
	s13 =	sadd.s32 $0x2000, s7  }
0xd: {  	s17 =	sadd.s32 $0x6F000, s5;
	s5 =	smax.u32 s8, $0x1;
	s7 =	sor.u32 $0x1C01, s31  }
0xe: {  	s8 =	sshrl.u32 s29, $0x3;
	s10 =	sadd.s32 s12, s30;
	s12 =	sadd.s32 s12, s13  }
0xf: {  	s13 =	simm.s32 $0x16400;
	s16 =	sadd.s32 s16, s17;
	s17 =	simm.s32 $0x0  }
.LBB2_1:
0x10: {  	[spmem:s8], [sflag:s7] =	dma.local [hbm:s6], $0x2780  }
0x11: {  	_ =	swait.ge [sflag:s9], $0x2780  }
0x12: {  	[sflag:s9] =	ssyncset.done $0x0  }
0x13: {  	[sflag:s9] =	ssyncadd.s32 $0xFFFFD880  }
0x14: {  	[tilespmem:s11], [sflag:$0x1] =	stream.linear.gather [hbm4b:s10+s2], $0x2800, $0x38;
	[tilespmem:$0x1CC00] =	vst v63  }
0x15: {  	_ =	swait.ge [sflag:s9], $0x2800  }
0x16: {  	[sflag:s9] =	ssyncset.done $0x0  }
0x17: {  	[sflag:s9] =	ssyncadd.s32 $0xFFFFD800  }
0x18: {  	[tilespmem:s13], [sflag:$0x1] =	stream.linear.gather [hbm4b:s12+s2], $0x2800, $0x38;
	[tilespmem:$0x1CC00] =	vst v63  }
0x19: {  	_ =	swait.ge [sflag:s9], $0x2800  }
0x1a: {  	[sflag:s9] =	ssyncset.done $0x0  }
0x1b: {  	[sflag:s9] =	ssyncadd.s32 $0xFFFFD800  }
0x1c: {  	s18 =	simm.s32 $0x13C00;
	[bflag:$0x0] =	sbarrier.arrive $0xFFFF  }
0x1d: {  	[tilespmem:s15], [sflag:$0x1] =	stream.indirect.gather [hbm4b:s4+s14], $0x80, s18, s14, $0xb8;
	[tilespmem:$0x1CC00] =	vst v63  }
0x1e: {  	_ =	swait.ge [sflag:s9], $0x4000  }
0x1f: {  	[sflag:s9] =	ssyncset.done $0x0  }
0x20: {  	s31 =	simm.s32 $0x16400;
	[sflag:s9] =	ssyncadd.s32 $0xFFFFC000  }
0x21: {  	[spmem:s1] =	stream.indirect.scatter.add.f32 [tilespmem:s15], [sflag:$0x1], $0x80, s31, s14, $0xb8;
	[tilespmem:$0x1CC00] =	vst v63  }
0x22: {  	_ =	swait.ge [sflag:s9], $0x4000  }
0x23: {  	s19 =	simm.s32 $0x400;
	s18 =	simm.s32 $0x80;
	[sflag:s9] =	ssyncset.done $0x0  }
.LBB2_2:
0x24: {  	s20 =	sadd.s32 $0x13C00, s18  }
0x25: {  	[sflag:s9] =	ssyncadd.s32 $0xFFFFC000;
	s21 =	smov.u32 s19;
	s22 =	sadd.s32 $0x200, s19  }
0x26: {  	[tilespmem:s15], [sflag:$0x1] =	stream.indirect.gather [hbm4b:s4+s14], $0x80, s20, s14, $0xb8;
	[tilespmem:$0x1CC00] =	vst v63  }
0x27: {  	p0 =	sne.s32 s19, $0x9E00;
	_ =	swait.ge [sflag:s9], $0x4000  }
.Ltmp0:
0x28: {  	[sflag:s9] =	ssyncset.done $0x0;
	(pc) =	sbr.rel @p0 .LBB2_2-.Ltmp0, $4  }
0x29: {  	s18 =	sadd.s32 $0x16400, s18;
	[sflag:s9] =	ssyncadd.s32 $0xFFFFC000  }
0x2a: {  	[spmem:s1] =	stream.indirect.scatter.add.f32 [tilespmem:s15], [sflag:$0x1], $0x80, s18, s14, $0xb8;
	[tilespmem:$0x1CC00] =	vst v63  }
0x2b: {  	_ =	swait.ge [sflag:s9], $0x4000  }
0x2c: {  	s19 =	smov.u32 s22;
	s18 =	sshra.s32 s21, $0x2;
	[sflag:s9] =	ssyncset.done $0x0  }
0x2d: {  	s19 =	sadd.s32 $0x13C00, s18;
	[sflag:s9] =	ssyncadd.s32 $0xFFFFC000  }
0x2e: {  	[tilespmem:s15], [sflag:$0x1] =	stream.indirect.gather [hbm4b:s4+s14], $0x80, s19, s14, $0xb8;
	[tilespmem:$0x1CC00] =	vst v63  }
0x2f: {  	_ =	swait.ge [sflag:s9], $0x4000  }
0x30: {  	[sflag:s9] =	ssyncset.done $0x0  }
0x31: {  	s31 =	sadd.s32 $0x16400, s18;
	[sflag:s9] =	ssyncadd.s32 $0xFFFFC000  }
0x32: {  	[spmem:s1] =	stream.indirect.scatter.add.f32 [tilespmem:s15], [sflag:$0x1], $0x80, s31, s14, $0xb8;
	[tilespmem:$0x1CC00] =	vst v63  }
0x33: {  	_ =	swait.ge [sflag:s9], $0x4000  }
0x34: {  	s17 =	sadd.s32 $0x1, s17;
	[sflag:s9] =	ssyncset.done $0x0  }
0x35: {  	p0 =	sne.s32 s17, s5;
	[sflag:s9] =	ssyncadd.s32 $0xFFFFC000  }
.Ltmp1:
0x36: {  	[bflag:$0x0] =	sbarrier.arrive $0xFFFF;
	(pc) =	sbr.rel @p0 .LBB2_1-.Ltmp1, $4  }
0x37: {  	[hbm:s16], [sflag:s7] =	dma.local [spmem:s8], $0x2780  }
0x38: {  	_ =	swait.ge [sflag:s9], $0x2780  }
0x39: {  	[sflag:s9] =	ssyncset.done $0x0  }
0x3a: {  	[sflag:s9] =	ssyncadd.s32 $0xFFFFD880  }
0x3b: {  	_ =	sfence.sel $0x180000  }
0x3c: {  	[bflag:$0x0] =	sbarrier.arrive $0xFFFF  }
0x3d: {  	p0 =	sne.s32 s3, $0x0;
	_ =	strace $0x9000004D  }
0x3e: {  	s0 =	sadd.s32 @!p0 $0x100000, s0;
	[bflag:$0x2] =	sbarrier.arrive $0xFFFF  }
0x3f: {  	[sflag:s0] =	ssyncadd.tile.s32 @!p0 $0x1;
	_ =	shalt  }
.Lfunc_end2:
_tile_overlayer_lowered:
.L_overlay_start_2:
0x40: {  	(tag) =	ssettag $0x2  }
0x41: {  	s0 =	rddreg [dreg:$0x0];
	s2 =	stileid.u32  }
0x42: {  	s1 =	rddreg [dreg:$0x1];
	p0 =	sne.s32 s2, $0x0  }
0x43: {  	s3 =	rddreg [dreg:$0x2];
	[bflag:$0x3] =	sbarrier.arrive $0xFFFF;
	s2 =	simm.s32 @!p0 $0x1C01  }
0x44: {  	[timem:s3], [sflag:s2] =	dma.local @!p0 [hbm:s0], s1  }
0x45: {  	s0 =	simm.s32 @!p0 $0x1  }
0x46: {  	_ =	swait.ge @!p0 [sflag:s0], s1  }
0x47: {  	s1 =	ssub.s32 @!p0 $0x0, s1;
	[sflag:s0] =	ssyncset.done @!p0 $0x0  }
0x48: {  	[sflag:s0] =	ssyncadd.s32 @!p0 s1  }
0x49: {  	[bflag:$0x3] =	sbarrier.arrive $0xFFFF  }
0x4a: {  	_ =	shalt  }

// kernel: kernel.9.cloned.1.call-start
scs
__scs_entry_jumppad:
0x0: {  	(pc) =	sbr.rel $0x88, $3  }
0x1: {  	(tag) =	ssettag $0x0;
	lr =	simm.s32 $0x1  }
0x2: {  	[smem:$0x3F98] =	sst lr;
	_ =	strace $0xD0000000  }
0x3: {  	_ = 	snop  }
0x4: {  	_ = 	snop  }
0x5: {  	_ = 	snop  }
0x6: {  	_ = 	snop  }
0x7: {  	_ = 	snop  }
__scs_overlays_trampoline_lowered:
0x8: {  	[smem:$0x3FA7] =	sst s0  }
0x9: {  	[smem:$0x3FA8] =	sst s1  }
0xa: {  	[smem:$0x3FA9] =	sst s2  }
0xb: {  	[smem:$0x3FAA] =	sst s3  }
0xc: {  	[smem:$0x3FAB] =	sst s4  }
0xd: {  	[smem:$0x3FAC] =	sst s5  }
0xe: {  	[smem:$0x3FAD] =	sst s6  }
0xf: {  	[smem:$0x3FAE] =	sst s7  }
0x10: {  	[smem:$0x3FAF] =	sst s8  }
0x11: {  	[smem:$0x3FB0] =	sst s9;
	s0 =	simm.s32 @!p0 $0x0  }
0x12: {  	s1 =	sld [smem:$0x3F96];
	s0 =	simm.s32 @p0 $0x1  }
0x13: {  	[smem:$0x3FB1] =	sst s0;
	s0 =	simm.s32 @!p1 $0x0  }
0x14: {  	s2 =	sld [smem:$0x3F95];
	s0 =	simm.s32 @p1 $0x1  }
0x15: {  	[smem:$0x3FB2] =	sst s0;
	s0 =	simm.s32 @!p2 $0x0  }
0x16: {  	s3 =	sld [smem:$0x3FDB];
	s0 =	simm.s32 @p2 $0x1  }
0x17: {  	s4 =	simm.s32 $0x1BF5;
	[smem:$0x3FB4] =	sst s0  }
0x18: {  	s0 =	sld [smem:$0x3F97];
	_ =	swait.ge [sflag:s4], $0x0  }
0x19: {  	s7 =	sld [smem:$0x3F98]  }
0x1a: {  	s8 =	sadd.s32 $0xFFFFE003, lr  }
0x1b: {  	s9 =	sadd.s32 $0xFFFFFEF7, lr;
	s5 =	simm.s32 $0xFFFFFFFF;
	p2 =	slt.u32 s8, $0xFFFFF086  }
0x1c: {  	p1 =	slt.u32 s9, $0xF7A;
	s5 =	simm.s32 @!p2 $0x0  }
0x1d: {  	s5 =	simm.s32 @p1 $0x1;
	p0 =	seq.s32 s7, s2  }
0x1e: {  	s7 =	smul.u32 @!p0 $0xF7A, s2;
	p2 =	seq.s32 @!p0 s5, $0x0  }
0x1f: {  	s9 =	smul.u32 $0xF7A, s1;
	s8 =	simm.s32 @!p0 $0x1BF5;
	p2 =	por !p2, p0  }
0x20: {  	[sflag:s8] =	ssyncset.s32 @!p0 $0xFFFFF086;
	s6 =	sadd.s32 @!p0 s3, s7;
	s7 =	simm.s32 @!p0 $0x108  }
0x21: {  	s3 =	sadd.s32 s3, s9;
	s6 =	sadd.s32 @!p0 $0x88, s6;
	s7 =	simm.s32 @p2 $0x1082  }
0x22: {  	[simem:s7], [sflag:s8] =	dma.local @!p0 [hbm:s6], $0xF7A  }
0x23: {  	s9 =	sor.u32 $0xD0000000, s2;
	s6 =	simm.s32 $0x108;
	_ =	swait.ge @!p0 [sflag:s8], $0x0  }
0x24: {  	s3 =	sadd.s32 $0x88, s3;
	s6 =	simm.s32 @!p1 $0x1082;
	[sflag:s4] =	ssyncset.s32 $0xFFFFF086  }
0x25: {  	[simem:s6], [sflag:s4] =	dma.local [hbm:s3], $0xF7A  }
0x26: {  	[smem:$0x3F98] =	sst s1;
	(tag) =	ssettag s2;
	_ =	strace s9  }
0x27: {  	s1 =	sld [smem:$0x3FA8]  }
0x28: {  	s2 =	sld [smem:$0x3FA9]  }
0x29: {  	s4 =	sld [smem:$0x3FAB]  }
0x2a: {  	p0 =	seq.s32 s5, $0x0;
	s5 =	sld [smem:$0x3FAC]  }
0x2b: {  	s6 =	sld [smem:$0x3FAD]  }
0x2c: {  	s7 =	sld [smem:$0x3FAE]  }
0x2d: {  	s3 =	simm.s32 $0x108;
	s8 =	sld [smem:$0x3FAF]  }
0x2e: {  	s3 =	simm.s32 @!p0 $0x1082;
	s9 =	sld [smem:$0x3FB0]  }
0x2f: {  	lr =	sadd.s32 s0, s3;
	s0 =	sld [smem:$0x3FA7]  }
0x30: {  	s3 =	sld [smem:$0x3FAA]  }
0x31: {  	[smem:$0x3FB3] =	sst s10  }
0x32: {  	s10 =	sld [smem:$0x3FB1];
	_ =	sdelay $0x3  }
0x33: {  	p0 =	seq.s32 s10, $0x1;
	s10 =	sld [smem:$0x3FB3];
	_ =	sdelay $0x3  }
0x34: {  	[smem:$0x3FB3] =	sst s10  }
0x35: {  	s10 =	sld [smem:$0x3FB2];
	_ =	sdelay $0x3  }
0x36: {  	p1 =	seq.s32 s10, $0x1;
	s10 =	sld [smem:$0x3FB3];
	_ =	sdelay $0x3  }
0x37: {  	[smem:$0x3FB3] =	sst s10  }
0x38: {  	s10 =	sld [smem:$0x3FB4]  }
0x39: {  	_ = 	snop;
	(pc) =	sbr.ind lr, $3  }
0x3a: {  	_ = 	snop  }
0x3b: {  	_ = 	snop  }
0x3c: {  	p2 =	seq.s32 s10, $0x1;
	s10 =	sld [smem:$0x3FB3]  }
0x3d: {  	_ =	shalt  }
0x3e: {  	_ =	shalt  }
0x3f: {  	_ =	shalt  }
0x40: {  	_ =	shalt  }
0x41: {  	_ =	shalt  }
0x42: {  	_ =	shalt  }
0x43: {  	_ =	shalt  }
0x44: {  	_ =	shalt  }
0x45: {  	_ =	shalt  }
0x46: {  	_ =	shalt  }
0x47: {  	_ =	shalt  }
0x48: {  	_ =	shalt  }
0x49: {  	_ =	shalt  }
0x4a: {  	_ =	shalt  }
0x4b: {  	_ =	shalt  }
0x4c: {  	_ =	shalt  }
0x4d: {  	_ =	shalt  }
0x4e: {  	_ =	shalt  }
0x4f: {  	_ =	shalt  }
0x50: {  	_ =	shalt  }
0x51: {  	_ =	shalt  }
0x52: {  	_ =	shalt  }
0x53: {  	_ =	shalt  }
0x54: {  	_ =	shalt  }
0x55: {  	_ =	shalt  }
0x56: {  	_ =	shalt  }
0x57: {  	_ =	shalt  }
0x58: {  	_ =	shalt  }
0x59: {  	_ =	shalt  }
0x5a: {  	_ =	shalt  }
0x5b: {  	_ =	shalt  }
0x5c: {  	_ =	shalt  }
0x5d: {  	_ =	shalt  }
0x5e: {  	_ =	shalt  }
0x5f: {  	_ =	shalt  }
0x60: {  	_ =	shalt  }
0x61: {  	_ =	shalt  }
0x62: {  	_ =	shalt  }
0x63: {  	_ =	shalt  }
0x64: {  	_ =	shalt  }
0x65: {  	_ =	shalt  }
0x66: {  	_ =	shalt  }
0x67: {  	_ =	shalt  }
0x68: {  	_ =	shalt  }
0x69: {  	_ =	shalt  }
0x6a: {  	_ =	shalt  }
0x6b: {  	_ =	shalt  }
0x6c: {  	_ =	shalt  }
0x6d: {  	_ =	shalt  }
0x6e: {  	_ =	shalt  }
0x6f: {  	_ =	shalt  }
0x70: {  	_ =	shalt  }
0x71: {  	_ =	shalt  }
0x72: {  	_ =	shalt  }
0x73: {  	_ =	shalt  }
0x74: {  	_ =	shalt  }
0x75: {  	_ =	shalt  }
0x76: {  	_ =	shalt  }
0x77: {  	_ =	shalt  }
0x78: {  	_ =	shalt  }
0x79: {  	_ =	shalt  }
0x7a: {  	_ =	shalt  }
0x7b: {  	_ =	shalt  }
0x7c: {  	_ =	shalt  }
0x7d: {  	_ =	shalt  }
0x7e: {  	_ =	shalt  }
0x7f: {  	_ =	shalt  }
0x80: {  	_ =	shalt  }
0x81: {  	_ =	shalt  }
0x82: {  	_ =	shalt  }
0x83: {  	_ =	shalt  }
0x84: {  	_ =	shalt  }
0x85: {  	_ =	shalt  }
0x86: {  	_ =	shalt  }
0x87: {  	_ =	shalt  }
.Lfunc_end0:
.L_simem_size_0:
called_computation_lowered:
.L_overlay_start_0:
0x88: {  	s2 =	sld [smem:$0x3FD9]  }
0x89: {  	s3 =	sld [smem:$0x3FFE];
	_ =	sdelay $0x1  }
0x8a: {  	s1 =	srdreg.scid  }
0x8b: {  	s0 =	sand.u32 $0x1, s1  }
0x8c: {  	s16 =	sshll.u32 s0, $0xA;
	s2 =	sadd.s32 s3, s2  }
0x8d: {  	s2 =	sadd.s32 s2, s16  }
0x8e: {  	[smem:$0x3FBF] =	sst s2  }
0x8f: {  	_ = 	snop  }
0x90: {  	(tm) =	ssettm $0x1  }
0x91: {  	s17 =	sld [smem:$0x3FFB];
	_ =	sdelay $0x3  }
0x92: {  	_ =	strace s17  }
0x93: {  	s2 =	sld [smem:$0x3FFC];
	_ =	sdelay $0x3  }
0x94: {  	_ =	strace s2  }
0x95: {  	s2 =	sld [smem:$0x3FFD];
	_ =	sdelay $0x3  }
0x96: {  	_ =	strace s2  }
0x97: {  	_ =	strace $0x8FFFFFFF  }
0x98: {  	s18 =	sld [smem:$0x3FDB];
	_ =	sdelay $0x1  }
0x99: {  	s19 =	simm.s32 $_scs_section_size  }
0x9a: {  	s4 =	simm.s32 $_size__tile_overlayer_lowered;
	s5 =	simm.s32 $_tile_overlayer_lowered  }
0x9b: {  	s22 =	simm.s32 $0x1BFF;
	s21 =	sshll.u32 s5, $0x1;
	s2 =	sadd.s32 s19, s18  }
0x9c: {  	s6 =	simm.s32 $0x0;
	s20 =	sshll.u32 s4, $0x1;
	s4 =	sadd.s32 s21, s2  }
0x9d: {  	[timem:s6], [sflag:s22] =	dma.local [hbm:s4], s20  }
0x9e: {  	_ =	swait.ge [sflag:s22], s20  }
0x9f: {  	s3 =	ssub.s32 $0x0, s20;
	[sflag:s22] =	ssyncset.done $0x0  }
0xa0: {  	[sflag:s22] =	ssyncadd.s32 s3;
	_ =	sdelay $0x1  }
0xa1: {  	s23 =	simm.s32 $0x1B8B  }
0xa2: {  	_ =	swait.ge [sflag:s23], $0x1  }
0xa3: {  	[sflag:s23] =	ssyncset.done $0x0  }
0xa4: {  	s25 =	simm.s32 $0x1B8E;
	s24 =	sld [smem:$0x3FFE];
	[sflag:s23] =	ssyncadd.s32 $0xFFFFFFFF  }
0xa5: {  	s26 =	simm.s32 $execute0_lowered;
	[smem:$0x3FD2] =	sst s25  }
0xa6: {  	s4 =	sshll.u32 s26, $0x1;
	_ =	strace $0x80000046;
	[dreg:$0x1] =	wrdreg $0xFFFFFFFF  }
0xa7: {  	s28 =	simm.s32 $_size_execute0_lowered;
	s2 =	sadd.s32 s2, s4;
	[dreg:$0x0] =	wrdreg $0x0  }
0xa8: {  	s4 =	sshll.u32 s28, $0x1;
	[dreg:$0x2] =	wrdreg s2  }
0xa9: {  	[dreg:$0x3] =	wrdreg s4  }
0xaa: {  	[dreg:$0x4] =	wrdreg $0xC0  }
0xab: {  	_ =	task [dreg:s6], $0x5FFFF  }
0xac: {  	[dreg:$0x1] =	wrdreg $0xFFFFFFFF  }
0xad: {  	[dreg:$0x0] =	wrdreg $0x60  }
0xae: {  	[dreg:$0x2] =	wrdreg s24  }
0xaf: {  	[dreg:$0x3] =	wrdreg $0x9  }
0xb0: {  	_ =	task.clear_ibuf [dreg:s6], $0x4FFFF;
	_ =	strace $0x90000046  }
0xb1: {  	s29 =	simm.s32 $0x9;
	_ =	strace $0x80000048  }
0xb2: {  	_ =	swait.ge [sflag:s29], $0x1  }
0xb3: {  	[sflag:s29] =	ssyncadd.s32 $0xFFFFFFFF  }
0xb4: {  	_ =	strace $0x90000048  }
0xb5: {  	_ =	sfence  }
0xb6: {  	s30 =	sld [smem:$0x0];
	_ =	sdelay $0x2  }
0xb7: {  	s31 =	sshll.u32 s1, $0xD;
	s1 =	sshrl.u32 s1, $0x2  }
0xb8: {  	s3 =	sand.u32 $0x4000, s31;
	s1 =	sadd.s32 s1, s30  }
0xb9: {  	s0 =	sor.u32 s3, s0;
	s1 =	sshll.u32 s1, $0x11  }
0xba: {  	s0 =	sor.u32 s1, s0  }
0xbb: {  	s0 =	sadd.s32 $0x8F2B, s0  }
0xbc: {  	[sflag:s0] =	ssyncadd.remote.s32 $0x1  }
0xbd: {  	_ =	sfence.sel $0xFFFF  }
0xbe: {  	[dreg:$0x0] =	wrdreg $0xFFFFFFFF;
	(pc) =	sbr.abs _section_cstart, $3  }
0xbf: {  	[dreg:$0x1] =	wrdreg $0xFFFFFFFF  }
0xc0: {  	_ =	task.clear_ibuf [dreg:s6], $0x2FFFF;
	_ =	strace $0x9FFFFFFF  }
0xc1: {  	(tm) =	ssettm $0x7FFFFFFF  }
tec
execute0_lowered:
.L_overlay_start_1:
0x0: {  	(tag) =	ssettag $0x1  }
0x1: {  	s0 =	srdreg.scid  }
0x2: {  	v1 =	vimm.s32 $0xECA86420;
	s3 =	rddreg [dreg:$0x0];
	v0 =	vimm.f32 $0.0e+00;
	vm0 =	vcmask $0xB08;
	s4 =	sand.u32 $0x1, s0  }
0x3: {  	s28 =	stileid.u32;
	vm1 =	vcmask $0x1310;
	vm2 =	vcmask $0x1B18;
	vm4 =	vcmask $0x300;
	s5 =	smul.u32 $0x5000, s4;
	s29 =	ssub.s32 $0x2, s4  }
0x4: {  	vm5 =	vcmask $0x2320;
	vm6 =	vcmask $0x2B28;
	vm7 =	vcmask $0x3330;
	s7 =	smul.u32 $0x500, s28;
	s0 =	simm.s32 $0x0;
	s4 =	sshrl.u32 s29, $0x1  }
0x5: {  	v2 =	vlaneseq.u32;
	vm9 =	vcmask $0x3B38;
	vm3 =	vmmov $0xff;
	[smem:$0x7FF] =	sst s0;
	s5 =	sadd.s32 s5, s3;
	s4 =	ssub.s32 s29, s4  }
0x6: {  	vm11 =	vcmask $0x704;
	vm12 =	vcmask $0xF0C;
	v1 =	vunpack.c.l.s4.s8 v1;
	_ =	strace $0x80000047;
	s6 =	sadd.s32 s7, s5;
	s30 =	smax.u32 s4, $0x1  }
0x7: {  	vm13 =	vcmask $0x1714;
	vm14 =	vcmask $0x1F1C;
	vm15 =	vcmask $0x2724;
	s8 =	sadd.s32 $0xC000, s5;
	s1 =	sadd.s32 $0x2000, s6;
	[dreg:$0x3] =	wrdreg s30  }
0x8: {  	s2 =	simm.s32 $0x1;
	vm8 =	vcmask $0x2F2C;
	v2 =	vmul.u32 $0x2, v2;
	v1 =	vunpack.c.0.s8.s32 v1;
	s31 =	sadd.s32 s7, s8;
	[dreg:$0x2] =	wrdreg s1  }
0x9: {  	vm10 =	vcmask $0x3734;
	v3 =	vimm.s32 $0x0;
	v4 =	vimm.f32 $1.000000000e+00;
	s3 =	simm.s32 $0x0;
	s6 =	simm.s32 $0x2800;
	[dreg:$0x4] =	wrdreg s31  }
.LBB2_1:
0xa: {  	[dreg:$0x5] =	wrdreg s3  }
0xb: {  	s1 =	rddreg [dreg:$0x2]  }
0xc: {  	[tilespmem:s0], [sflag:$0x1] =	stream.linear.gather [hbm4b:s1+s0], $0x2800, $0x38;
	[tilespmem:$0x5000] =	vst v63  }
0xd: {  	_ =	swait.ge [sflag:s2], $0x2800  }
0xe: {  	[sflag:s2] =	ssyncset.done $0x0  }
0xf: {  	s11 =	simm.s32 $0x0;
	[sflag:s2] =	ssyncadd.s32 $0xFFFFD800  }
.LBB2_2:
0x10: {  	s9 =	sshrl.u32 s11, $0x3  }
0x11: {  	s9 =	smul.u32 $0x5000, s9  }
0x12: {  	s10 =	sshll.u32 s11, $0x7  }
0x13: {  	s10 =	sand.u32 $0x380, s10;
	s9 =	sshra.s32 s9, $0x2  }
0x14: {  	s10 =	sor.u32 s10, s9;
	s9 =	simm.s32 $0x0  }
0x15: {  	s10 =	sadd.s32 $0x2800, s10;
	s12 =	sand.u32 $0x1C00, s9  }
0x16: {  	s13 =	sand.u32 $0x70, s9;
	s14 =	sadd.s32 s12, s10  }
0x17: {  	s12 =	simm.s32 $0x10;
	s13 =	sadd.s32 s13, s14  }
.LBB2_3:
0x18: {  	p0 =	sne.s32 s12, $0x260  }
0x19: {  	[tilespmem:s13+$0x0] =	vst v0;
	s9 =	sadd.s32 $0x80, s9;
	s13 =	smov.u32 s12;
	s12 =	sadd.s32 $0x10, s12  }
.Ltmp0:
0x1a: {  	(pc) =	sbr.rel @p0 .LBB2_3-.Ltmp0, $4  }
0x1b: {  	_ = 	snop  }
0x1c: {  	s14 =	sand.u32 $0x1C00, s9  }
0x1d: {  	s13 =	sand.u32 $0x70, s13;
	s14 =	sadd.s32 s14, s10  }
0x1e: {  	s13 =	sadd.s32 s13, s14  }
0x1f: {  	s11 =	sadd.s32 $0x1, s11  }
0x20: {  	p0 =	sne.s32 s11, $0x10  }
.Ltmp1:
0x21: {  	_ = 	snop;
	(pc) =	sbr.rel @p0 .LBB2_2-.Ltmp1, $2  }
0x22: {  	_ =	sdelay $0x2  }
0x23: {  	[tilespmem:s13+$0x0] =	vst v0;
	s0 =	simm.s32 $0x0;
	s10 =	simm.s32 $0x0  }
.LBB2_5:
0x24: {  	v5 =	vmov s0;
	_ =	sdelay $0x3  }
0x25: {  	s11 =	simm.s32 $0x0  }
0x26: {  	v6 =	vld.idx.msk [tilespmem:v5+s11+$0x0 ss:$0x1], $0xffff;
	_ =	sdelay $0x4  }
0x27: {  	(v2sf) =	vpush v6, $0x7;
	_ =	sdelay $0x1  }
0x28: {  	(v2sf) =	vpush v6, $0x0  }
0x29: {  	(v2sf) =	vpush v6, $0x1;
	_ =	sdelay $0x1  }
0x2a: {  	(v2sf) =	vpush v6, $0x2;
	_ =	sdelay $0x2  }
0x2b: {  	(v2sf) =	vpush v6, $0x3;
	_ =	sdelay $0x1  }
0x2c: {  	(v2sf) =	vpush v6, $0x4;
	_ =	sdelay $0x1  }
0x2d: {  	(v2sf) =	vpush v6, $0xC  }
0x2e: {  	(v2sf) =	vpush v6, $0xD;
	_ =	sdelay $0x1  }
0x2f: {  	s8 =	spop (v2sf)  }
0x30: {  	(v2sf) =	vpush v6, $0xE;
	s12 =	smulhi.u32 $0x67B23A55, s8;
	s11 =	sshra.s32 s8, $0x1F  }
0x31: {  	s13 =	spop (v2sf);
	s11 =	smul.u32 $0x67B23A55, s11  }
0x32: {  	(v2sf) =	vpush v6, $0x8;
	s14 =	spop (v2sf);
	s24 =	smulhi.u32 $0x67B23A55, s13  }
0x33: {  	s19 =	sshra.s32 s13, $0x1F;
	s15 =	smulhi.u32 $0x67B23A55, s14  }
0x34: {  	(v2sf) =	vpush v6, $0xF;
	s16 =	spop (v2sf);
	s19 =	smul.u32 $0x67B23A55, s19  }
0x35: {  	s14 =	sshra.s32 s14, $0x1F;
	s17 =	smulhi.u32 $0x67B23A55, s16  }
0x36: {  	[dreg:$0x6] =	wrdreg s0;
	s16 =	sshra.s32 s16, $0x1F;
	s14 =	smul.u32 $0x67B23A55, s14  }
0x37: {  	s18 =	spop (v2sf);
	s16 =	smul.u32 $0x67B23A55, s16  }
0x38: {  	s12 =	sadd.s32 s11, s12;
	s9 =	smulhi.u32 $0x67B23A55, s18;
	s18 =	sshra.s32 s18, $0x1F  }
0x39: {  	(v2sf) =	vpush v6, $0x9;
	s20 =	spop (v2sf);
	s22 =	sshra.s32 s12, $0x1F;
	s18 =	smul.u32 $0x67B23A55, s18  }
0x3a: {  	(v2sf) =	vpush v6, $0xA;
	s19 =	sadd.s32 s19, s24;
	s21 =	sshra.s32 s20, $0x1F;
	s20 =	smulhi.u32 $0x67B23A55, s20  }
0x3b: {  	(v2sf) =	vpush v6, $0xB;
	s23 =	spop (v2sf);
	s14 =	sadd.s32 s14, s15;
	s21 =	smul.u32 $0x67B23A55, s21  }
0x3c: {  	s4 =	spop (v2sf);
	s25 =	sshra.s32 s23, $0x1F;
	s23 =	smulhi.u32 $0x67B23A55, s23  }
0x3d: {  	s26 =	sshra.s32 s14, $0x8;
	s29 =	sshra.s32 s14, $0x1F;
	s5 =	smulhi.u32 $0x67B23A55, s4  }
0x3e: {  	s16 =	sadd.s32 s16, s17;
	s14 =	sshrl.u32 s14, $0x1F;
	s25 =	smul.u32 $0x67B23A55, s25  }
0x3f: {  	s28 =	spop (v2sf);
	s30 =	sshra.s32 s4, $0x1F;
	s31 =	sshra.s32 s16, $0x8  }
0x40: {  	(v2sf) =	vpush v6, $0x5;
	s13 =	sshrl.u32 s16, $0x1F;
	s16 =	sshra.s32 s16, $0x1F;
	s17 =	smulhi.u32 $0x67B23A55, s28  }
0x41: {  	(v2sf) =	vpush v6, $0x6;
	s18 =	sadd.s32 s18, s9;
	s1 =	spop (v2sf);
	s30 =	smul.u32 $0x67B23A55, s30  }
0x42: {  	s28 =	sshra.s32 s28, $0x1F;
	s3 =	sshra.s32 s1, $0x1F;
	s1 =	smulhi.u32 $0x67B23A55, s1  }
0x43: {  	s20 =	sadd.s32 s21, s20;
	s7 =	spop (v2sf);
	s28 =	smul.u32 $0x67B23A55, s28  }
0x44: {  	s21 =	sshrl.u32 s18, $0x1F;
	s23 =	sadd.s32 s25, s23;
	s2 =	smulhi.u32 $0x67B23A55, s7  }
0x45: {  	s0 =	sshra.s32 s7, $0x1F;
	s7 =	sshrl.u32 s23, $0x1F;
	s3 =	smul.u32 $0x67B23A55, s3  }
0x46: {  	s30 =	sadd.s32 s30, s5;
	s23 =	sshra.s32 s23, $0x8;
	s0 =	smul.u32 $0x67B23A55, s0  }
0x47: {  	v7 =	vmov s22;
	s24 =	sshra.s32 s30, $0x8;
	s22 =	sshrl.u32 s30, $0x1F;
	s17 =	sadd.s32 s28, s17;
	v10 =	vmov s23  }
0x48: {  	s1 =	sadd.s32 s3, s1;
	v10 =	vsel vm0, s24, v10;
	s24 =	sshra.s32 s20, $0x1F;
	s4 =	spop (v2sf)  }
0x49: {  	s25 =	smulhi.u32 $0x67B23A55, s4;
	s4 =	sshra.s32 s4, $0x1F;
	s8 =	spop (v2sf)  }
0x4a: {  	s11 =	sadd.s32 s0, s2;
	s4 =	smul.u32 $0x67B23A55, s4;
	s9 =	spop (v2sf)  }
0x4b: {  	s5 =	smulhi.u32 $0x67B23A55, s8;
	s8 =	sshra.s32 s8, $0x1F;
	s0 =	sshra.s32 s9, $0x1F  }
0x4c: {  	s15 =	sadd.s32 s4, s25;
	s4 =	smulhi.u32 $0x67B23A55, s9;
	s9 =	sshra.s32 s19, $0x8  }
0x4d: {  	s2 =	smul.u32 $0x67B23A55, s8;
	s8 =	sshra.s32 s19, $0x1F;
	s19 =	sshrl.u32 s19, $0x1F;
	v7 =	vsel vm4, s9, v7  }
0x4e: {  	s25 =	sshra.s32 s18, $0x8;
	s0 =	smul.u32 $0x67B23A55, s0;
	s18 =	sshra.s32 s18, $0x1F;
	v8 =	vmov s19;
	v7 =	vsel vm11, s8, v7  }
0x4f: {  	v9 =	vmov s7;
	s9 =	spop (v2sf);
	s2 =	sadd.s32 s2, s5;
	s7 =	sshrl.u32 s15, $0x1F;
	v8 =	vnsel vm4, $0x0, v8;
	v7 =	vsel vm0, s26, v7  }
0x50: {  	s5 =	smulhi.u32 $0x67B23A55, s9;
	s19 =	spop (v2sf);
	s8 =	sshra.s32 s9, $0x1F;
	v8 =	vsel vm0, s14, v8;
	v7 =	vsel vm12, s29, v7  }
0x51: {  	s9 =	sshra.s32 s20, $0x8;
	s0 =	sadd.s32 s0, s4;
	s28 =	smulhi.u32 $0x67B23A55, s19;
	v8 =	vsel vm1, s13, v8;
	v7 =	vsel vm1, s31, v7  }
0x52: {  	v9 =	vsel vm0, s22, v9;
	s23 =	smul.u32 $0x67B23A55, s8;
	s29 =	sshrl.u32 s1, $0x1F;
	s1 =	sshra.s32 s1, $0x8;
	v8 =	vsel vm2, s21, v8;
	v7 =	vsel vm13, s16, v7  }
0x53: {  	s26 =	sshrl.u32 s20, $0x1F;
	s30 =	sshra.s32 s19, $0x1F;
	s31 =	sshra.s32 s17, $0x8;
	v11 =	vmov s29;
	v12 =	vmov s1;
	v7 =	vsel vm2, s25, v7  }
0x54: {  	s19 =	sshra.s32 s2, $0x8;
	s20 =	sshra.s32 s15, $0x8;
	s5 =	sadd.s32 s23, s5;
	v8 =	vsel vm5, s26, v8;
	v10 =	vsel vm1, s31, v10;
	v7 =	vsel vm14, s18, v7  }
0x55: {  	s8 =	sshrl.u32 s5, $0x1F;
	v11 =	vsel vm0, s7, v11;
	v12 =	vsel vm0, s20, v12;
	s25 =	sshrl.u32 s2, $0x1F;
	s18 =	smul.u32 $0x67B23A55, s30;
	v7 =	vsel vm5, s9, v7  }
0x56: {  	s23 =	sshrl.u32 s0, $0x1F;
	v8 =	vsel vm6, s8, v8;
	v11 =	vsel vm1, s25, v11;
	s25 =	sshrl.u32 s17, $0x1F;
	s9 =	sshra.s32 s5, $0x8;
	v7 =	vsel vm15, s24, v7  }
0x57: {  	s21 =	sshra.s32 s5, $0x1F;
	v11 =	vsel vm2, s23, v11;
	v9 =	vsel vm1, s25, v9;
	s22 =	sadd.s32 s18, s28;
	s24 =	sshra.s32 s11, $0x8;
	v7 =	vsel vm6, s9, v7  }
0x58: {  	s0 =	sshra.s32 s0, $0x8;
	s28 =	sshrl.u32 s11, $0x1F;
	v13 =	vsel vm2, s24, v10;
	v10 =	vsel vm1, s19, v12;
	s26 =	sshra.s32 s22, $0x8;
	v7 =	vsel vm8, s21, v7  }
0x59: {  	s29 =	sshrl.u32 s22, $0x1F;
	s30 =	sshra.s32 s22, $0x1F;
	v14 =	vsel vm2, s28, v9;
	v12 =	vsel vm2, s0, v10;
	v7 =	vsel vm7, s26, v7  }
0x5a: {  	s31 =	sshra.s32 s12, $0x8;
	v9 =	vsel vm7, s29, v8;
	v8 =	vcombine.low v12, v13;
	v7 =	vsel vm10, s30, v7  }
0x5b: {  	s12 =	sshrl.u32 s12, $0x1F;
	s11 =	simm.s32 $0x40;
	v10 =	vsel vm9, s31, v7;
	v7 =	vcombine.low v11, v14  }
.LBB2_6:
0x5c: {  	p0 =	sne.s32 s11, $0x1C0;
	v9 =	vsel vm9, s12, v9;
	v8 =	vperm.xlane v8, v1;
	v10 =	vperm.xlane v10, v2;
	s0 =	smov.u32 s11;
	s11 =	sadd.s32 $0x40, s11  }
0x5d: {  	v7 =	vperm.xlane v7, v1;
	v9 =	vperm.xlane v9, v2;
	_ =	sdelay $0x1  }
0x5e: {  	v8 =	vsel vm3, v10, v8;
	v7 =	vsel vm3, v9, v7  }
0x5f: {  	v7 =	vadd.s32 v7, v8  }
0x60: {  	v8 =	vmul.u32 $0xFFFFFD88, v7  }
0x61: {  	v9 =	vsub.s32 $0x0, v6  }
0x62: {  	vm8 =	vmmov vm9;
	vm9 =	vlt.s32 v6, $0x1;
	vm10 =	vne.s32 v8, v9  }
0x63: {  	vm9 =	vmand vm9, vm10  }
0x64: {  	v8 =	vsel vm9, $0xFFFFFFFF, v3;
	vm9 =	vmmov vm8  }
0x65: {  	v7 =	vadd.s32 v8, v7  }
0x66: {  	v8 =	vmul.u32 $0xFFFFFD88, v7;
	v9 =	vshrl.u32 v7, $0x3;
	v7 =	vshll.u32 v7, $0x7;
	_ =	sdelay $0x1  }
0x67: {  	v6 =	vadd.s32 v6, v8  }
0x68: {  	v8 =	vmul.u32 $0x1400, v9;
	v9 =	vshll.u32 v6, $0x3  }
0x69: {  	v9 =	vand.u32 $0xFFFFFC00, v9  }
0x6a: {  	v7 =	vand.u32 $0x380, v7;
	v8 =	vadd.s32 v8, v9  }
0x6b: {  	v6 =	vand.u32 $0x7F, v6;
	v7 =	vor.u32 v7, v8  }
0x6c: {  	v6 =	vor.u32 v6, v7;
	_ =	sdelay $0x4  }
0x6d: {  	s0 =	sshra.s32 s0, $0x2;
	[tilespmem:v6+s6+$0x0] =	vst.idx.add.f32.msk $0xffff, v4  }
0x6e: {  	v6 =	vld.idx.msk [tilespmem:v5+s0+$0x0 ss:$0x1], $0xffff;
	_ =	sdelay $0x5  }
0x6f: {  	(v2sf) =	vpush v6, $0x7  }
0x70: {  	(v2sf) =	vpush v6, $0x0  }
0x71: {  	(v2sf) =	vpush v6, $0x1  }
0x72: {  	(v2sf) =	vpush v6, $0x2;
	_ =	sdelay $0x1  }
0x73: {  	(v2sf) =	vpush v6, $0x3  }
0x74: {  	(v2sf) =	vpush v6, $0x4;
	_ =	sdelay $0x1  }
0x75: {  	(v2sf) =	vpush v6, $0xC  }
0x76: {  	(v2sf) =	vpush v6, $0xD;
	_ =	sdelay $0x1  }
0x77: {  	(v2sf) =	vpush v6, $0xE;
	_ =	sdelay $0x2  }
0x78: {  	(v2sf) =	vpush v6, $0x8  }
0x79: {  	s0 =	spop (v2sf)  }
0x7a: {  	(v2sf) =	vpush v6, $0xF;
	s1 =	smulhi.u32 $0x67B23A55, s0;
	s0 =	sshra.s32 s0, $0x1F  }
0x7b: {  	(v2sf) =	vpush v6, $0x9;
	s2 =	spop (v2sf);
	s0 =	smul.u32 $0x67B23A55, s0  }
0x7c: {  	s20 =	sshra.s32 s2, $0x1F;
	s3 =	spop (v2sf);
	s23 =	smulhi.u32 $0x67B23A55, s2  }
0x7d: {  	s4 =	smulhi.u32 $0x67B23A55, s3;
	s3 =	sshra.s32 s3, $0x1F;
	(v2sf) =	vpush v6, $0xA;
	s5 =	spop (v2sf)  }
0x7e: {  	s7 =	smulhi.u32 $0x67B23A55, s5;
	s5 =	sshra.s32 s5, $0x1F;
	s12 =	sadd.s32 s0, s1  }
0x7f: {  	s0 =	smul.u32 $0x67B23A55, s3;
	s1 =	sshra.s32 s12, $0x1F;
	(v2sf) =	vpush v6, $0xB;
	s3 =	spop (v2sf)  }
0x80: {  	s5 =	smul.u32 $0x67B23A55, s5;
	s21 =	sshra.s32 s3, $0x1F;
	v7 =	vmov s1;
	s1 =	spop (v2sf)  }
0x81: {  	s0 =	sadd.s32 s0, s4;
	s3 =	smulhi.u32 $0x67B23A55, s3;
	s4 =	sshra.s32 s1, $0x1F  }
0x82: {  	s14 =	sshra.s32 s0, $0x8;
	s15 =	smul.u32 $0x67B23A55, s4;
	s4 =	spop (v2sf)  }
0x83: {  	s20 =	smul.u32 $0x67B23A55, s20;
	s13 =	sshra.s32 s0, $0x1F;
	s2 =	spop (v2sf)  }
0x84: {  	s5 =	sadd.s32 s5, s7;
	s16 =	sshra.s32 s4, $0x1F;
	s25 =	smulhi.u32 $0x67B23A55, s2;
	(v2sf) =	vpush v6, $0x5  }
0x85: {  	s2 =	sshra.s32 s2, $0x1F;
	s7 =	smul.u32 $0x67B23A55, s16;
	s24 =	spop (v2sf)  }
0x86: {  	s22 =	sshrl.u32 s0, $0x1F;
	s18 =	sshra.s32 s5, $0x8;
	s19 =	smulhi.u32 $0x67B23A55, s24  }
0x87: {  	s17 =	sshrl.u32 s5, $0x1F;
	s0 =	smulhi.u32 $0x67B23A55, s4;
	s16 =	sshra.s32 s5, $0x1F  }
0x88: {  	s4 =	smul.u32 $0x67B23A55, s21;
	s24 =	sshra.s32 s24, $0x1F;
	s5 =	spop (v2sf);
	(v2sf) =	vpush v6, $0x6  }
0x89: {  	s2 =	smul.u32 $0x67B23A55, s2;
	s21 =	sshra.s32 s5, $0x1F;
	s26 =	spop (v2sf)  }
0x8a: {  	s28 =	smulhi.u32 $0x67B23A55, s26;
	s26 =	sshra.s32 s26, $0x1F;
	s29 =	spop (v2sf)  }
0x8b: {  	s1 =	smulhi.u32 $0x67B23A55, s1;
	s0 =	sadd.s32 s7, s0;
	s7 =	sshra.s32 s29, $0x1F  }
0x8c: {  	s30 =	sshrl.u32 s0, $0x1F;
	s29 =	smulhi.u32 $0x67B23A55, s29;
	s31 =	spop (v2sf)  }
0x8d: {  	s2 =	sadd.s32 s2, s25;
	s0 =	sshra.s32 s0, $0x8;
	v8 =	vmov s30;
	s25 =	smul.u32 $0x67B23A55, s26  }
0x8e: {  	s30 =	sshra.s32 s2, $0x8;
	v9 =	vmov s0;
	s26 =	smulhi.u32 $0x67B23A55, s31;
	s0 =	spop (v2sf)  }
0x8f: {  	s3 =	sadd.s32 s4, s3;
	s24 =	smul.u32 $0x67B23A55, s24;
	v9 =	vsel vm0, s30, v9;
	s31 =	sshra.s32 s31, $0x1F  }
0x90: {  	s8 =	sshra.s32 s3, $0x8;
	s30 =	sshrl.u32 s3, $0x1F;
	s4 =	smulhi.u32 $0x67B23A55, s0  }
0x91: {  	s2 =	sshrl.u32 s2, $0x1F;
	s5 =	smulhi.u32 $0x67B23A55, s5;
	s3 =	sshra.s32 s3, $0x1F  }
0x92: {  	s23 =	sadd.s32 s20, s23;
	v8 =	vsel vm0, s2, v8;
	s2 =	smul.u32 $0x67B23A55, s31;
	s0 =	sshra.s32 s0, $0x1F  }
0x93: {  	s7 =	smul.u32 $0x67B23A55, s7;
	s31 =	sshrl.u32 s23, $0x1F;
	s9 =	spop (v2sf)  }
0x94: {  	s20 =	sadd.s32 s25, s28;
	s25 =	sshra.s32 s23, $0x8;
	v10 =	vmov s31;
	s0 =	smul.u32 $0x67B23A55, s0  }
0x95: {  	s7 =	sadd.s32 s7, s29;
	v7 =	vsel vm4, s25, v7;
	s23 =	sshra.s32 s23, $0x1F;
	v10 =	vnsel vm4, $0x0, v10;
	s28 =	smulhi.u32 $0x67B23A55, s9  }
0x96: {  	s1 =	sadd.s32 s15, s1;
	s21 =	smul.u32 $0x67B23A55, s21;
	s25 =	sshrl.u32 s7, $0x1F;
	v7 =	vsel vm11, s23, v7;
	v10 =	vsel vm0, s22, v10  }
0x97: {  	v7 =	vsel vm0, s14, v7;
	s14 =	sshra.s32 s1, $0x8;
	s9 =	sshra.s32 s9, $0x1F;
	s15 =	spop (v2sf)  }
0x98: {  	s2 =	sadd.s32 s2, s26;
	v7 =	vsel vm12, s13, v7;
	s13 =	sshra.s32 s1, $0x1F;
	s22 =	smulhi.u32 $0x67B23A55, s15  }
0x99: {  	s19 =	sadd.s32 s24, s19;
	s5 =	sadd.s32 s21, s5;
	s23 =	sshrl.u32 s2, $0x1F;
	v7 =	vsel vm1, s18, v7  }
0x9a: {  	s2 =	sshra.s32 s2, $0x8;
	s18 =	sshrl.u32 s20, $0x1F;
	v10 =	vsel vm1, s17, v10;
	v7 =	vsel vm13, s16, v7;
	s9 =	smul.u32 $0x67B23A55, s9  }
0x9b: {  	s7 =	sshra.s32 s7, $0x8;
	s1 =	sshrl.u32 s1, $0x1F;
	s0 =	sadd.s32 s0, s4;
	v7 =	vsel vm2, s8, v7  }
0x9c: {  	vm10 =	vcmask $0x2F2C;
	v10 =	vsel vm2, s30, v10;
	s8 =	sshra.s32 s19, $0x8;
	v7 =	vsel vm14, s3, v7;
	s3 =	sshrl.u32 s5, $0x1F;
	s4 =	sshra.s32 s15, $0x1F  }
0x9d: {  	v10 =	vsel vm5, s1, v10;
	v9 =	vsel vm1, s8, v9;
	s5 =	sshra.s32 s5, $0x8;
	v7 =	vsel vm5, s14, v7;
	s1 =	sadd.s32 s9, s28;
	s9 =	sshra.s32 s0, $0x8  }
0x9e: {  	v11 =	vmov s3;
	v12 =	vmov s5;
	v7 =	vsel vm15, s13, v7;
	s3 =	sshrl.u32 s1, $0x1F;
	s8 =	sshra.s32 s1, $0x8  }
0x9f: {  	v11 =	vsel vm0, s25, v11;
	s0 =	sshrl.u32 s0, $0x1F;
	s1 =	sshra.s32 s1, $0x1F;
	v10 =	vsel vm6, s3, v10;
	s3 =	smul.u32 $0x67B23A55, s4;
	v7 =	vsel vm6, s8, v7  }
0xa0: {  	v12 =	vsel vm0, s7, v12;
	v11 =	vsel vm1, s23, v11;
	s4 =	sshra.s32 s20, $0x8;
	v7 =	vsel vm10, s1, v7  }
.Ltmp2:
0xa1: {  	v12 =	vsel vm1, s2, v12;
	v11 =	vsel vm2, s0, v11;
	v9 =	vsel vm2, s4, v9;
	s0 =	sadd.s32 s3, s22;
	(pc) =	sbr.rel @p0 .LBB2_6-.Ltmp2, $4  }
0xa2: {  	v12 =	vsel vm2, s9, v12;
	s1 =	sshrl.u32 s19, $0x1F;
	s3 =	sshrl.u32 s0, $0x1F;
	s2 =	sshra.s32 s0, $0x8  }
0xa3: {  	vm10 =	vcmask $0x3734;
	v8 =	vsel vm1, s1, v8;
	s0 =	sshra.s32 s0, $0x1F;
	v7 =	vsel vm7, s2, v7  }
0xa4: {  	v13 =	vsel vm2, s18, v8;
	v8 =	vcombine.low v12, v9;
	v12 =	vsel vm10, s0, v7;
	s0 =	sshra.s32 s12, $0x8  }
0xa5: {  	v9 =	vsel vm7, s3, v10;
	v7 =	vcombine.low v11, v13;
	s12 =	sshrl.u32 s12, $0x1F;
	v10 =	vsel vm8, s0, v12  }
0xa6: {  	v5 =	vsel vm9, s12, v9;
	v8 =	vperm.xlane v8, v1;
	v60 =	vperm.xlane v10, v2  }
0xa7: {  	v7 =	vperm.xlane v7, v1;
	v5 =	vperm.xlane v5, v2;
	_ =	sdelay $0x1  }
0xa8: {  	v5 =	vsel vm3, v5, v7;
	v7 =	vsel vm3, v60, v8  }
0xa9: {  	v5 =	vadd.s32 v5, v7  }
0xaa: {  	v7 =	vmul.u32 $0xFFFFFD88, v5  }
0xab: {  	v61 =	vsub.s32 $0x0, v6  }
0xac: {  	vm9 =	vlt.s32 v6, $0x1;
	vm10 =	vne.s32 v7, v61  }
0xad: {  	vm9 =	vmand vm9, vm10  }
0xae: {  	v7 =	vsel vm9, $0xFFFFFFFF, v3  }
0xaf: {  	v5 =	vadd.s32 v7, v5  }
0xb0: {  	v7 =	vmul.u32 $0xFFFFFD88, v5;
	_ =	sdelay $0x1  }
0xb1: {  	v62 =	vshrl.u32 v5, $0x3;
	v6 =	vadd.s32 v6, v7  }
0xb2: {  	v7 =	vmul.u32 $0x1400, v62;
	v63 =	vshll.u32 v6, $0x3  }
0xb3: {  	v5 =	vshll.u32 v5, $0x7;
	v8 =	vand.u32 $0xFFFFFC00, v63  }
0xb4: {  	v5 =	vand.u32 $0x380, v5;
	v7 =	vadd.s32 v7, v8  }
0xb5: {  	s10 =	sadd.s32 $0x1, s10;
	v6 =	vand.u32 $0x7F, v6;
	v5 =	vor.u32 v5, v7  }
0xb6: {  	p0 =	sne.s32 s10, $0x50;
	v5 =	vor.u32 v6, v5  }
.Ltmp3:
0xb7: {  	_ = 	snop;
	(pc) =	sbr.rel @p0 .LBB2_5-.Ltmp3, $3  }
0xb8: {  	_ =	sdelay $0x1  }
0xb9: {  	s0 =	rddreg [dreg:$0x6]  }
0xba: {  	s0 =	sadd.s32 $0x80, s0;
	vm10 =	vcmask $0x3734;
	vm9 =	vmmov vm8;
	vm8 =	vcmask $0x2F2C;
	[tilespmem:v5+s6+$0x0] =	vst.idx.add.f32.msk $0xffff, v4  }
0xbb: {  	s0 =	simm.s32 $0x0;
	s1 =	rddreg [dreg:$0x4];
	s2 =	simm.s32 $0x1  }
0xbc: {  	[hbm4b:s1+s0] =	stream.linear.scatter [tilespmem:s6], [sflag:$0x1], $0x2800, $0x38;
	[tilespmem:$0x5000] =	vst v63  }
0xbd: {  	_ =	swait.ge [sflag:s2], $0x2800  }
0xbe: {  	s3 =	rddreg [dreg:$0x5]  }
0xbf: {  	s31 =	rddreg [dreg:$0x3];
	s3 =	sadd.s32 $0x1, s3  }
0xc0: {  	p0 =	sne.s32 s3, s31  }
.Ltmp4:
0xc1: {  	_ = 	snop;
	(pc) =	sbr.rel @p0 .LBB2_1-.Ltmp4, $3  }
0xc2: {  	_ =	sdelay $0x1  }
0xc3: {  	[sflag:s2] =	ssyncset.done $0x0  }
0xc4: {  	[sflag:s2] =	ssyncadd.s32 $0xFFFFD800  }
0xc5: {  	_ =	sfence.sel $0x180000  }
0xc6: {  	[bflag:$0x0] =	sbarrier.arrive $0xFFFF  }
0xc7: {  	_ =	strace $0x90000047  }
0xc8: {  	s0 =	stileid.u32;
	[bflag:$0x2] =	sbarrier.arrive $0xFFFF  }
0xc9: {  	p0 =	sne.s32 s0, $0x0;
	s0 =	rddreg [dreg:$0x1]  }
0xca: {  	s0 =	sadd.s32 @!p0 $0x100000, s0  }
0xcb: {  	[sflag:s0] =	ssyncadd.tile.s32 @!p0 $0x1;
	_ =	shalt  }
.Lfunc_end2:
_tile_overlayer_lowered:
.L_overlay_start_2:
0xcc: {  	(tag) =	ssettag $0x2  }
0xcd: {  	s0 =	rddreg [dreg:$0x0];
	s2 =	stileid.u32  }
0xce: {  	s1 =	rddreg [dreg:$0x1];
	p0 =	sne.s32 s2, $0x0  }
0xcf: {  	s3 =	rddreg [dreg:$0x2];
	[bflag:$0x3] =	sbarrier.arrive $0xFFFF;
	s2 =	simm.s32 @!p0 $0x1C01  }
0xd0: {  	[timem:s3], [sflag:s2] =	dma.local @!p0 [hbm:s0], s1  }
0xd1: {  	s0 =	simm.s32 @!p0 $0x1  }
0xd2: {  	_ =	swait.ge @!p0 [sflag:s0], s1  }
0xd3: {  	s1 =	ssub.s32 @!p0 $0x0, s1;
	[sflag:s0] =	ssyncset.done @!p0 $0x0  }
0xd4: {  	[sflag:s0] =	ssyncadd.s32 @!p0 s1  }
0xd5: {  	[bflag:$0x3] =	sbarrier.arrive $0xFFFF  }
0xd6: {  	_ =	shalt  }

</sc_bundles>
